<compile_context>
chip_gen: v7x
topology: tpu7x:2x2x1
jax: 0.10.2.dev20260603
libtpu: 0.0.44.dev20260713+nightly
codegen_flags: <defaults>
</compile_context>

<pallas_src>
import functools

import jax
import jax.numpy as jnp
from jax import lax
from jax.experimental import pallas as pl
from jax.experimental.pallas import tpu as pltpu
from jax.experimental.pallas import tpu_sc as plsc

C = 21
NPIX = 4 * 512 * 512
NB = 4
PLANE = 512 * 512
NW = 32
CHUNK = PLANE // NW
NV = CHUNK // 16
B = 256
HB = 2 * B
LSTRIDE = HB + 1
UNROLL = 8
MAGIC = float(2 ** 23)
MAGIC_I = 0x4B000000


def _sc_hist_body(inp_hbm, tgt_hbm, out_hbm, tgt_v, inbuf_v, hist_v, flush_v,
                  sem0, sem1):
    cid = lax.axis_index("c")
    sid = lax.axis_index("s")
    wid = sid * 2 + cid
    base = wid * CHUNK

    ones16 = jnp.ones((16,), jnp.float32)
    zero16 = jnp.zeros((16,), jnp.float32)
    sems = (sem0, sem1)

    scale = float(B - 1)
    lanef = lax.iota(jnp.int32, 16).astype(jnp.float32) * float(LSTRIDE)
    sel_pos = lanef + float(B) + scale + MAGIC
    sel_neg = lanef + MAGIC

    row0 = wid * 16

    pltpu.async_copy(inp_hbm.at[0, pl.ds(row0, 16), :], inbuf_v.at[0], sem0)

    tdescs = [pltpu.async_copy(tgt_hbm.at[b, pl.ds(row0, 16), :],
                               tgt_v.at[b], sem1)
              for b in range(NB)]
    for d in tdescs:
        d.wait()

    @plsc.parallel_loop(0, (16 * LSTRIDE + 15) // 16, 1, unroll=4)
    def zbody(i):
        hist_v[pl.ds(i * 16, 16)] = zero16

    def class_body(c, _):
        for b in range(NB):
            slot = b % 2
            nslot = (b + 1) % 2
            if b < NB - 1:
                pltpu.async_copy(
                    inp_hbm.at[(b + 1) * C + c, pl.ds(row0, 16), :],
                    inbuf_v.at[nslot], sems[nslot])
            else:
                nc = jnp.minimum(c + 1, C - 1)
                pltpu.async_copy(
                    inp_hbm.at[nc, pl.ds(row0, 16), :],
                    inbuf_v.at[nslot], sems[nslot])
            pltpu.make_async_copy(
                inp_hbm.at[b * C + c, pl.ds(row0, 16), :],
                inbuf_v.at[slot], sems[slot]).wait()

            @plsc.parallel_loop(0, NV, 1, unroll=UNROLL)
            def iter_body(i):
                r = i >> 5
                jj = (i & 31) * 16
                p = inbuf_v[slot, r, pl.ds(jj, 16)]
                t = tgt_v[b, r, pl.ds(jj, 16)]
                isc = t == c
                comb = (jnp.where(isc, sel_pos, sel_neg)
                        + p * jnp.where(isc, -scale, scale))
                idx = plsc.bitcast(comb, jnp.int32) - MAGIC_I
                plsc.addupdate_scatter(hist_v, [idx], ones16)

        @plsc.parallel_loop(0, HB // 16, 1, unroll=2)
        def fbody(kk):
            vals = []
            for l in range(16):
                off = l * LSTRIDE + kk * 16
                vals.append(hist_v[pl.ds(off, 16)])
                hist_v[pl.ds(off, 16)] = zero16
            while len(vals) > 1:
                vals = [a + bb for a, bb in zip(vals[::2], vals[1::2])]
            flush_v[pl.ds(kk * 16, 16)] = vals[0]

        pltpu.sync_copy(flush_v, out_hbm.at[wid, c])
        return 0
    lax.fori_loop(0, C, class_body, 0)

    pltpu.make_async_copy(inp_hbm.at[C - 1, pl.ds(row0, 16), :],
                          inbuf_v.at[0], sem0).wait()


def _sc_hist(inp3, tgt2):
    mesh = plsc.VectorSubcoreMesh(core_axis_name="c", subcore_axis_name="s",
                                  num_cores=2, num_subcores=16)
    return pl.kernel(
        _sc_hist_body,
        out_type=jax.ShapeDtypeStruct((NW, C, HB), jnp.float32),
        mesh=mesh,
        compiler_params=pltpu.CompilerParams(needs_layout_passes=False),
        scratch_types=[
            pltpu.VMEM((NB, 16, 512), jnp.int32),
            pltpu.VMEM((2, 16, 512), jnp.float32),
            pltpu.VMEM((16 * LSTRIDE,), jnp.float32),
            pltpu.VMEM((HB,), jnp.float32),
            pltpu.SemaphoreType.DMA,
            pltpu.SemaphoreType.DMA,
        ],
    )(inp3, tgt2)


def _tc_finish_body(hist_ref, out_ref):
    h = jnp.sum(hist_ref[...], axis=0)
    n0 = h[:, :B]
    n1 = h[:, B:]
    n = n0 + n1
    g = jnp.sum(n1, axis=1, keepdims=True)

    tri = (lax.broadcasted_iota(jnp.int32, (B, B), 0)
           <= lax.broadcasted_iota(jnp.int32, (B, B), 1)).astype(jnp.float32)
    cn = jnp.dot(n, tri, preferred_element_type=jnp.float32)
    cn1 = jnp.dot(n1, tri, preferred_element_type=jnp.float32)

    midn = (float(NPIX) - cn) + 0.5 * n
    midn1 = (g - cn1) + 0.5 * n1
    inter = g - midn1
    union = g + midn - midn1
    j = jnp.where(union > 0.0, 1.0 - inter / jnp.where(union > 0.0, union, 1.0),
                  0.0)
    s = float(B - 1)
    kk = lax.broadcasted_iota(jnp.int32, (1, B), 1)
    w = jnp.where((kk == 0) | (kk == B - 1), 0.5 / s, 1.0 / s)
    out_ref[...] = (jnp.sum(j * w) / float(C)).reshape(1, 1)


def _tc_finish(hist):
    return pl.pallas_call(
        _tc_finish_body,
        out_shape=jax.ShapeDtypeStruct((1, 1), jnp.float32),
    )(hist)


@jax.jit
def kernel(inputs, targets):
    inp3 = inputs.reshape(NB * C, 512, 512)
    hist = _sc_hist(inp3, targets)
    return _tc_finish(hist).reshape(())

# --- scband reference (transcript-rebuilt; emitter-appended) ---
"""Pipeline reference for scband-lovasz-softmax-773094113422 (READ-ONLY COPY).

The authoritative reference and input builder live on the scoring server;
editing this copy changes nothing except your own understanding.
"""

import jax, jax.numpy as jnp
import numpy as np


def lovasz_grad(gt_sorted):
    # Computes gradient of the Lovasz extension w.r.t sorted errors (Alg. 1)
    gts = gt_sorted.sum()
    intersection = gts - jnp.cumsum(gt_sorted.astype(jnp.float32), axis=0)
    union = gts + jnp.cumsum((1.0 - gt_sorted).astype(jnp.float32), axis=0)
    jaccard = 1.0 - intersection / union
    p = gt_sorted.shape[0]
    if p > 1:
        jaccard = jnp.concatenate([jaccard[:1], jaccard[1:] - jaccard[:-1]], axis=0)
    return jaccard


def setup_inputs(seed: int = 0) -> dict:
    key = jax.random.key(seed)
    k1, k2 = jax.random.split(key)
    inputs = jax.random.uniform(k1, (4, 21, 512, 512), dtype=jnp.float32)
    targets = jax.random.randint(k2, (4, 512, 512), 0, 21, dtype=jnp.int32)
    return {"inputs": inputs, "targets": targets}


def reference(inputs, targets):
    # prob_flatten: [B, C, H, W] -> [B*H*W, C]
    num_classes = inputs.shape[1]
    inp = jnp.transpose(inputs, (0, 2, 3, 1)).reshape(-1, num_classes)
    tgt = targets.reshape(-1)

    losses = []
    for c in range(num_classes):
        target_c = (tgt == c).astype(jnp.float32)
        if num_classes == 1:
            input_c = inp[:, 0]
        else:
            input_c = inp[:, c]
        loss_c = jnp.abs(target_c - input_c)
        # torch.sort(loss_c, 0, descending=True)
        order = jnp.argsort(-loss_c)
        loss_c_sorted = loss_c[order]
        target_c_sorted = target_c[order]
        losses.append(jnp.dot(loss_c_sorted, lovasz_grad(target_c_sorted)))
    losses = jnp.stack(losses)
    # reduction == 'mean'
    return jnp.mean(losses)

if __name__ == "__main__":
    import jax
    _d = setup_inputs()
    print(jax.jit(kernel)(*tuple(_d.values())))

</pallas_src>

<mosaic_0001>
#map = affine_map<(d0, d1) -> (0, 0, 0)>
module attributes {stable_mosaic.version = 14 : i64} {
  func.func @_sc_hist_body(%arg0: i32, %arg1: i32, %arg2: memref<84x512x512xf32, #tpu.memory_space<hbm>>, %arg3: memref<4x512x512xi32, #tpu.memory_space<hbm>>, %arg4: memref<32x21x512xf32, #tpu.memory_space<hbm>>, %arg5: memref<4x16x512xi32, #tpu.memory_space<vmem>>, %arg6: memref<2x16x512xf32, #tpu.memory_space<vmem>>, %arg7: memref<8208xf32, #tpu.memory_space<vmem>>, %arg8: memref<512xf32, #tpu.memory_space<vmem>>, %arg9: memref<!tpu.dma_semaphore, #tpu.memory_space<semaphore_mem>>, %arg10: memref<!tpu.dma_semaphore, #tpu.memory_space<semaphore_mem>>) attributes {dimension_semantics = [#tpu.dimension_semantics<core_parallel>, #tpu.dimension_semantics<subcore_parallel>], iteration_bounds = array<i64: 2, 16>, scalar_prefetch = 0 : i64, scratch_operands = 6 : i64, tpu.core_type = #tpu.core_type<sc_vector_subcore>, window_params = [{transform_indices = #map}, {transform_indices = #map}, {transform_indices = #map}]} {
    %mul3A = arith.constant 2 : i32
    %mul3A_0 = arith.muli %arg1, %mul3A : i32
    %add3A = arith.addi %mul3A_0, %arg0 : i32
    %mul3A_1 = arith.constant 8192 : i32
    %mul3A_2 = arith.muli %add3A, %mul3A_1 : i32
    %broadcast_in_dim3A = arith.constant 1.000000e+00 : f32
    %broadcast_in_dim3A_3 = vector.broadcast %broadcast_in_dim3A : f32 to vector<16xf32>
    %broadcast_in_dim3A_4 = arith.constant 0.000000e+00 : f32
    %broadcast_in_dim3A_5 = vector.broadcast %broadcast_in_dim3A_4 : f32 to vector<16xf32>
    %iota3A = tpu.iota {dimensions = array<i32: 0>} : vector<16xi32>
    %convert_element_type3A = arith.sitofp %iota3A : vector<16xi32> to vector<16xf32>
    %mul3A_6 = arith.constant 5.130000e+02 : f32
    %mul3A_7 = vector.broadcast %mul3A_6 : f32 to vector<16xf32>
    %mul3A_8 = arith.mulf %convert_element_type3A, %mul3A_7 : vector<16xf32>
    %add3A_9 = arith.constant 2.560000e+02 : f32
    %add3A_10 = vector.broadcast %add3A_9 : f32 to vector<16xf32>
    %add3A_11 = arith.addf %mul3A_8, %add3A_10 : vector<16xf32>
    %add3A_12 = arith.constant 2.550000e+02 : f32
    %add3A_13 = vector.broadcast %add3A_12 : f32 to vector<16xf32>
    %add3A_14 = arith.addf %add3A_11, %add3A_13 : vector<16xf32>
    %add3A_15 = arith.constant 0x4B000000 : f32
    %add3A_16 = vector.broadcast %add3A_15 : f32 to vector<16xf32>
    %add3A_17 = arith.addf %add3A_14, %add3A_16 : vector<16xf32>
    %add3A_18 = arith.constant 0x4B000000 : f32
    %add3A_19 = vector.broadcast %add3A_18 : f32 to vector<16xf32>
    %add3A_20 = arith.addf %mul3A_8, %add3A_19 : vector<16xf32>
    %mul3A_21 = arith.constant 16 : i32
    %mul3A_22 = arith.muli %add3A, %mul3A_21 : i32
    %dma_start3A = arith.constant 0 : i32
    %dma_start3A_23 = arith.constant 0 : i32
    %dma_start3A_24 = arith.constant 0 : i32
    %dma_start3A_25 = arith.constant 0 : i32
    %dma_start3A_26 = tpu.memref_slice %arg6[%dma_start3A_23, %dma_start3A_24, %dma_start3A_25] : memref<2x16x512xf32, #tpu.memory_space<vmem>> -> memref<1x16x512xf32, #tpu.memory_space<vmem>>
    %dma_start3A_27 = tpu.memref_squeeze %dma_start3A_26 : memref<1x16x512xf32, #tpu.memory_space<vmem>> -> memref<16x512xf32, #tpu.memory_space<vmem>>
    %dma_start3A_28 = arith.constant 0 : i32
    %dma_start3A_29 = tpu.memref_slice %arg2[%dma_start3A, %mul3A_22, %dma_start3A_28] : memref<84x512x512xf32, #tpu.memory_space<hbm>> -> memref<1x16x512xf32, #tpu.memory_space<hbm>>
    %dma_start3A_30 = tpu.memref_squeeze %dma_start3A_29 : memref<1x16x512xf32, #tpu.memory_space<hbm>> -> memref<16x512xf32, #tpu.memory_space<hbm>>
    %dma_start3A_31 = arith.constant 0 : i32
    %dma_start3A_32 = arith.constant 0 : i32
    %dma_start3A_33 = tpu.memref_slice %arg6[%dma_start3A_23, %dma_start3A_31, %dma_start3A_32] : memref<2x16x512xf32, #tpu.memory_space<vmem>> -> memref<1x16x512xf32, #tpu.memory_space<vmem>>
    %dma_start3A_34 = tpu.memref_squeeze %dma_start3A_33 : memref<1x16x512xf32, #tpu.memory_space<vmem>> -> memref<16x512xf32, #tpu.memory_space<vmem>>
    %dma_start3A_35 = arith.constant 0 : i32
    %dma_start3A_36 = tpu.memref_slice %arg2[%dma_start3A, %mul3A_22, %dma_start3A_35] : memref<84x512x512xf32, #tpu.memory_space<hbm>> -> memref<1x16x512xf32, #tpu.memory_space<hbm>>
    %dma_start3A_37 = tpu.memref_squeeze %dma_start3A_36 : memref<1x16x512xf32, #tpu.memory_space<hbm>> -> memref<16x512xf32, #tpu.memory_space<hbm>>
    tpu.enqueue_dma source(%dma_start3A_37 : memref<16x512xf32, #tpu.memory_space<hbm>>) target(%dma_start3A_34 : memref<16x512xf32, #tpu.memory_space<vmem>>) target_semaphore(%arg9 : memref<!tpu.dma_semaphore, #tpu.memory_space<semaphore_mem>>)
    %dma_start3A_38 = arith.constant 0 : i32
    %dma_start3A_39 = arith.constant 0 : i32
    %dma_start3A_40 = arith.constant 0 : i32
    %dma_start3A_41 = arith.constant 0 : i32
    %dma_start3A_42 = tpu.memref_slice %arg5[%dma_start3A_39, %dma_start3A_40, %dma_start3A_41] : memref<4x16x512xi32, #tpu.memory_space<vmem>> -> memref<1x16x512xi32, #tpu.memory_space<vmem>>
    %dma_start3A_43 = tpu.memref_squeeze %dma_start3A_42 : memref<1x16x512xi32, #tpu.memory_space<vmem>> -> memref<16x512xi32, #tpu.memory_space<vmem>>
    %dma_start3A_44 = arith.constant 0 : i32
    %dma_start3A_45 = tpu.memref_slice %arg3[%dma_start3A_38, %mul3A_22, %dma_start3A_44] : memref<4x512x512xi32, #tpu.memory_space<hbm>> -> memref<1x16x512xi32, #tpu.memory_space<hbm>>
    %dma_start3A_46 = tpu.memref_squeeze %dma_start3A_45 : memref<1x16x512xi32, #tpu.memory_space<hbm>> -> memref<16x512xi32, #tpu.memory_space<hbm>>
    %dma_start3A_47 = arith.constant 0 : i32
    %dma_start3A_48 = arith.constant 0 : i32
    %dma_start3A_49 = tpu.memref_slice %arg5[%dma_start3A_39, %dma_start3A_47, %dma_start3A_48] : memref<4x16x512xi32, #tpu.memory_space<vmem>> -> memref<1x16x512xi32, #tpu.memory_space<vmem>>
    %dma_start3A_50 = tpu.memref_squeeze %dma_start3A_49 : memref<1x16x512xi32, #tpu.memory_space<vmem>> -> memref<16x512xi32, #tpu.memory_space<vmem>>
    %dma_start3A_51 = arith.constant 0 : i32
    %dma_start3A_52 = tpu.memref_slice %arg3[%dma_start3A_38, %mul3A_22, %dma_start3A_51] : memref<4x512x512xi32, #tpu.memory_space<hbm>> -> memref<1x16x512xi32, #tpu.memory_space<hbm>>
    %dma_start3A_53 = tpu.memref_squeeze %dma_start3A_52 : memref<1x16x512xi32, #tpu.memory_space<hbm>> -> memref<16x512xi32, #tpu.memory_space<hbm>>
    tpu.enqueue_dma source(%dma_start3A_53 : memref<16x512xi32, #tpu.memory_space<hbm>>) target(%dma_start3A_50 : memref<16x512xi32, #tpu.memory_space<vmem>>) target_semaphore(%arg10 : memref<!tpu.dma_semaphore, #tpu.memory_space<semaphore_mem>>)
    %dma_start3A_54 = arith.constant 1 : i32
    %dma_start3A_55 = arith.constant 1 : i32
    %dma_start3A_56 = arith.constant 0 : i32
    %dma_start3A_57 = arith.constant 0 : i32
    %dma_start3A_58 = tpu.memref_slice %arg5[%dma_start3A_55, %dma_start3A_56, %dma_start3A_57] : memref<4x16x512xi32, #tpu.memory_space<vmem>> -> memref<1x16x512xi32, #tpu.memory_space<vmem>>
    %dma_start3A_59 = tpu.memref_squeeze %dma_start3A_58 : memref<1x16x512xi32, #tpu.memory_space<vmem>> -> memref<16x512xi32, #tpu.memory_space<vmem>>
    %dma_start3A_60 = arith.constant 0 : i32
    %dma_start3A_61 = tpu.memref_slice %arg3[%dma_start3A_54, %mul3A_22, %dma_start3A_60] : memref<4x512x512xi32, #tpu.memory_space<hbm>> -> memref<1x16x512xi32, #tpu.memory_space<hbm>>
    %dma_start3A_62 = tpu.memref_squeeze %dma_start3A_61 : memref<1x16x512xi32, #tpu.memory_space<hbm>> -> memref<16x512xi32, #tpu.memory_space<hbm>>
    %dma_start3A_63 = arith.constant 0 : i32
    %dma_start3A_64 = arith.constant 0 : i32
    %dma_start3A_65 = tpu.memref_slice %arg5[%dma_start3A_55, %dma_start3A_63, %dma_start3A_64] : memref<4x16x512xi32, #tpu.memory_space<vmem>> -> memref<1x16x512xi32, #tpu.memory_space<vmem>>
    %dma_start3A_66 = tpu.memref_squeeze %dma_start3A_65 : memref<1x16x512xi32, #tpu.memory_space<vmem>> -> memref<16x512xi32, #tpu.memory_space<vmem>>
    %dma_start3A_67 = arith.constant 0 : i32
    %dma_start3A_68 = tpu.memref_slice %arg3[%dma_start3A_54, %mul3A_22, %dma_start3A_67] : memref<4x512x512xi32, #tpu.memory_space<hbm>> -> memref<1x16x512xi32, #tpu.memory_space<hbm>>
    %dma_start3A_69 = tpu.memref_squeeze %dma_start3A_68 : memref<1x16x512xi32, #tpu.memory_space<hbm>> -> memref<16x512xi32, #tpu.memory_space<hbm>>
    tpu.enqueue_dma source(%dma_start3A_69 : memref<16x512xi32, #tpu.memory_space<hbm>>) target(%dma_start3A_66 : memref<16x512xi32, #tpu.memory_space<vmem>>) target_semaphore(%arg10 : memref<!tpu.dma_semaphore, #tpu.memory_space<semaphore_mem>>)
    %dma_start3A_70 = arith.constant 2 : i32
    %dma_start3A_71 = arith.constant 2 : i32
    %dma_start3A_72 = arith.constant 0 : i32
    %dma_start3A_73 = arith.constant 0 : i32
    %dma_start3A_74 = tpu.memref_slice %arg5[%dma_start3A_71, %dma_start3A_72, %dma_start3A_73] : memref<4x16x512xi32, #tpu.memory_space<vmem>> -> memref<1x16x512xi32, #tpu.memory_space<vmem>>
    %dma_start3A_75 = tpu.memref_squeeze %dma_start3A_74 : memref<1x16x512xi32, #tpu.memory_space<vmem>> -> memref<16x512xi32, #tpu.memory_space<vmem>>
    %dma_start3A_76 = arith.constant 0 : i32
    %dma_start3A_77 = tpu.memref_slice %arg3[%dma_start3A_70, %mul3A_22, %dma_start3A_76] : memref<4x512x512xi32, #tpu.memory_space<hbm>> -> memref<1x16x512xi32, #tpu.memory_space<hbm>>
    %dma_start3A_78 = tpu.memref_squeeze %dma_start3A_77 : memref<1x16x512xi32, #tpu.memory_space<hbm>> -> memref<16x512xi32, #tpu.memory_space<hbm>>
    %dma_start3A_79 = arith.constant 0 : i32
    %dma_start3A_80 = arith.constant 0 : i32
    %dma_start3A_81 = tpu.memref_slice %arg5[%dma_start3A_71, %dma_start3A_79, %dma_start3A_80] : memref<4x16x512xi32, #tpu.memory_space<vmem>> -> memref<1x16x512xi32, #tpu.memory_space<vmem>>
    %dma_start3A_82 = tpu.memref_squeeze %dma_start3A_81 : memref<1x16x512xi32, #tpu.memory_space<vmem>> -> memref<16x512xi32, #tpu.memory_space<vmem>>
    %dma_start3A_83 = arith.constant 0 : i32
    %dma_start3A_84 = tpu.memref_slice %arg3[%dma_start3A_70, %mul3A_22, %dma_start3A_83] : memref<4x512x512xi32, #tpu.memory_space<hbm>> -> memref<1x16x512xi32, #tpu.memory_space<hbm>>
    %dma_start3A_85 = tpu.memref_squeeze %dma_start3A_84 : memref<1x16x512xi32, #tpu.memory_space<hbm>> -> memref<16x512xi32, #tpu.memory_space<hbm>>
    tpu.enqueue_dma source(%dma_start3A_85 : memref<16x512xi32, #tpu.memory_space<hbm>>) target(%dma_start3A_82 : memref<16x512xi32, #tpu.memory_space<vmem>>) target_semaphore(%arg10 : memref<!tpu.dma_semaphore, #tpu.memory_space<semaphore_mem>>)
    %dma_start3A_86 = arith.constant 3 : i32
    %dma_start3A_87 = arith.constant 3 : i32
    %dma_start3A_88 = arith.constant 0 : i32
    %dma_start3A_89 = arith.constant 0 : i32
    %dma_start3A_90 = tpu.memref_slice %arg5[%dma_start3A_87, %dma_start3A_88, %dma_start3A_89] : memref<4x16x512xi32, #tpu.memory_space<vmem>> -> memref<1x16x512xi32, #tpu.memory_space<vmem>>
    %dma_start3A_91 = tpu.memref_squeeze %dma_start3A_90 : memref<1x16x512xi32, #tpu.memory_space<vmem>> -> memref<16x512xi32, #tpu.memory_space<vmem>>
    %dma_start3A_92 = arith.constant 0 : i32
    %dma_start3A_93 = tpu.memref_slice %arg3[%dma_start3A_86, %mul3A_22, %dma_start3A_92] : memref<4x512x512xi32, #tpu.memory_space<hbm>> -> memref<1x16x512xi32, #tpu.memory_space<hbm>>
    %dma_start3A_94 = tpu.memref_squeeze %dma_start3A_93 : memref<1x16x512xi32, #tpu.memory_space<hbm>> -> memref<16x512xi32, #tpu.memory_space<hbm>>
    %dma_start3A_95 = arith.constant 0 : i32
    %dma_start3A_96 = arith.constant 0 : i32
    %dma_start3A_97 = tpu.memref_slice %arg5[%dma_start3A_87, %dma_start3A_95, %dma_start3A_96] : memref<4x16x512xi32, #tpu.memory_space<vmem>> -> memref<1x16x512xi32, #tpu.memory_space<vmem>>
    %dma_start3A_98 = tpu.memref_squeeze %dma_start3A_97 : memref<1x16x512xi32, #tpu.memory_space<vmem>> -> memref<16x512xi32, #tpu.memory_space<vmem>>
    %dma_start3A_99 = arith.constant 0 : i32
    %dma_start3A_100 = tpu.memref_slice %arg3[%dma_start3A_86, %mul3A_22, %dma_start3A_99] : memref<4x512x512xi32, #tpu.memory_space<hbm>> -> memref<1x16x512xi32, #tpu.memory_space<hbm>>
    %dma_start3A_101 = tpu.memref_squeeze %dma_start3A_100 : memref<1x16x512xi32, #tpu.memory_space<hbm>> -> memref<16x512xi32, #tpu.memory_space<hbm>>
    tpu.enqueue_dma source(%dma_start3A_101 : memref<16x512xi32, #tpu.memory_space<hbm>>) target(%dma_start3A_98 : memref<16x512xi32, #tpu.memory_space<vmem>>) target_semaphore(%arg10 : memref<!tpu.dma_semaphore, #tpu.memory_space<semaphore_mem>>)
    %dma_wait3A = arith.constant 0 : i32
    %dma_wait3A_102 = arith.constant 0 : i32
    %dma_wait3A_103 = arith.constant 0 : i32
    %dma_wait3A_104 = arith.constant 0 : i32
    %dma_wait3A_105 = tpu.memref_slice %arg5[%dma_wait3A_102, %dma_wait3A_103, %dma_wait3A_104] : memref<4x16x512xi32, #tpu.memory_space<vmem>> -> memref<1x16x512xi32, #tpu.memory_space<vmem>>
    %dma_wait3A_106 = tpu.memref_squeeze %dma_wait3A_105 : memref<1x16x512xi32, #tpu.memory_space<vmem>> -> memref<16x512xi32, #tpu.memory_space<vmem>>
    %dma_wait3A_107 = arith.constant 0 : i32
    %dma_wait3A_108 = tpu.memref_slice %arg3[%dma_wait3A, %mul3A_22, %dma_wait3A_107] : memref<4x512x512xi32, #tpu.memory_space<hbm>> -> memref<1x16x512xi32, #tpu.memory_space<hbm>>
    %dma_wait3A_109 = tpu.memref_squeeze %dma_wait3A_108 : memref<1x16x512xi32, #tpu.memory_space<hbm>> -> memref<16x512xi32, #tpu.memory_space<hbm>>
    %dma_wait3A_110 = arith.constant 0 : i32
    %dma_wait3A_111 = arith.constant 0 : i32
    %dma_wait3A_112 = tpu.memref_slice %arg5[%dma_wait3A_102, %dma_wait3A_110, %dma_wait3A_111] : memref<4x16x512xi32, #tpu.memory_space<vmem>> -> memref<1x16x512xi32, #tpu.memory_space<vmem>>
    %dma_wait3A_113 = tpu.memref_squeeze %dma_wait3A_112 : memref<1x16x512xi32, #tpu.memory_space<vmem>> -> memref<16x512xi32, #tpu.memory_space<vmem>>
    %dma_wait3A_114 = arith.constant 0 : i32
    %dma_wait3A_115 = tpu.memref_slice %arg3[%dma_wait3A, %mul3A_22, %dma_wait3A_114] : memref<4x512x512xi32, #tpu.memory_space<hbm>> -> memref<1x16x512xi32, #tpu.memory_space<hbm>>
    %dma_wait3A_116 = tpu.memref_squeeze %dma_wait3A_115 : memref<1x16x512xi32, #tpu.memory_space<hbm>> -> memref<16x512xi32, #tpu.memory_space<hbm>>
    tpu.wait_dma2 semaphore(%arg10 : memref<!tpu.dma_semaphore, #tpu.memory_space<semaphore_mem>>) src(%dma_wait3A_116 : memref<16x512xi32, #tpu.memory_space<hbm>>) dst(%dma_wait3A_113 : memref<16x512xi32, #tpu.memory_space<vmem>>)
    %dma_wait3A_117 = arith.constant 1 : i32
    %dma_wait3A_118 = arith.constant 1 : i32
    %dma_wait3A_119 = arith.constant 0 : i32
    %dma_wait3A_120 = arith.constant 0 : i32
    %dma_wait3A_121 = tpu.memref_slice %arg5[%dma_wait3A_118, %dma_wait3A_119, %dma_wait3A_120] : memref<4x16x512xi32, #tpu.memory_space<vmem>> -> memref<1x16x512xi32, #tpu.memory_space<vmem>>
    %dma_wait3A_122 = tpu.memref_squeeze %dma_wait3A_121 : memref<1x16x512xi32, #tpu.memory_space<vmem>> -> memref<16x512xi32, #tpu.memory_space<vmem>>
    %dma_wait3A_123 = arith.constant 0 : i32
    %dma_wait3A_124 = tpu.memref_slice %arg3[%dma_wait3A_117, %mul3A_22, %dma_wait3A_123] : memref<4x512x512xi32, #tpu.memory_space<hbm>> -> memref<1x16x512xi32, #tpu.memory_space<hbm>>
    %dma_wait3A_125 = tpu.memref_squeeze %dma_wait3A_124 : memref<1x16x512xi32, #tpu.memory_space<hbm>> -> memref<16x512xi32, #tpu.memory_space<hbm>>
    %dma_wait3A_126 = arith.constant 0 : i32
    %dma_wait3A_127 = arith.constant 0 : i32
    %dma_wait3A_128 = tpu.memref_slice %arg5[%dma_wait3A_118, %dma_wait3A_126, %dma_wait3A_127] : memref<4x16x512xi32, #tpu.memory_space<vmem>> -> memref<1x16x512xi32, #tpu.memory_space<vmem>>
    %dma_wait3A_129 = tpu.memref_squeeze %dma_wait3A_128 : memref<1x16x512xi32, #tpu.memory_space<vmem>> -> memref<16x512xi32, #tpu.memory_space<vmem>>
    %dma_wait3A_130 = arith.constant 0 : i32
    %dma_wait3A_131 = tpu.memref_slice %arg3[%dma_wait3A_117, %mul3A_22, %dma_wait3A_130] : memref<4x512x512xi32, #tpu.memory_space<hbm>> -> memref<1x16x512xi32, #tpu.memory_space<hbm>>
    %dma_wait3A_132 = tpu.memref_squeeze %dma_wait3A_131 : memref<1x16x512xi32, #tpu.memory_space<hbm>> -> memref<16x512xi32, #tpu.memory_space<hbm>>
    tpu.wait_dma2 semaphore(%arg10 : memref<!tpu.dma_semaphore, #tpu.memory_space<semaphore_mem>>) src(%dma_wait3A_132 : memref<16x512xi32, #tpu.memory_space<hbm>>) dst(%dma_wait3A_129 : memref<16x512xi32, #tpu.memory_space<vmem>>)
    %dma_wait3A_133 = arith.constant 2 : i32
    %dma_wait3A_134 = arith.constant 2 : i32
    %dma_wait3A_135 = arith.constant 0 : i32
    %dma_wait3A_136 = arith.constant 0 : i32
    %dma_wait3A_137 = tpu.memref_slice %arg5[%dma_wait3A_134, %dma_wait3A_135, %dma_wait3A_136] : memref<4x16x512xi32, #tpu.memory_space<vmem>> -> memref<1x16x512xi32, #tpu.memory_space<vmem>>
    %dma_wait3A_138 = tpu.memref_squeeze %dma_wait3A_137 : memref<1x16x512xi32, #tpu.memory_space<vmem>> -> memref<16x512xi32, #tpu.memory_space<vmem>>
    %dma_wait3A_139 = arith.constant 0 : i32
    %dma_wait3A_140 = tpu.memref_slice %arg3[%dma_wait3A_133, %mul3A_22, %dma_wait3A_139] : memref<4x512x512xi32, #tpu.memory_space<hbm>> -> memref<1x16x512xi32, #tpu.memory_space<hbm>>
    %dma_wait3A_141 = tpu.memref_squeeze %dma_wait3A_140 : memref<1x16x512xi32, #tpu.memory_space<hbm>> -> memref<16x512xi32, #tpu.memory_space<hbm>>
    %dma_wait3A_142 = arith.constant 0 : i32
    %dma_wait3A_143 = arith.constant 0 : i32
    %dma_wait3A_144 = tpu.memref_slice %arg5[%dma_wait3A_134, %dma_wait3A_142, %dma_wait3A_143] : memref<4x16x512xi32, #tpu.memory_space<vmem>> -> memref<1x16x512xi32, #tpu.memory_space<vmem>>
    %dma_wait3A_145 = tpu.memref_squeeze %dma_wait3A_144 : memref<1x16x512xi32, #tpu.memory_space<vmem>> -> memref<16x512xi32, #tpu.memory_space<vmem>>
    %dma_wait3A_146 = arith.constant 0 : i32
    %dma_wait3A_147 = tpu.memref_slice %arg3[%dma_wait3A_133, %mul3A_22, %dma_wait3A_146] : memref<4x512x512xi32, #tpu.memory_space<hbm>> -> memref<1x16x512xi32, #tpu.memory_space<hbm>>
    %dma_wait3A_148 = tpu.memref_squeeze %dma_wait3A_147 : memref<1x16x512xi32, #tpu.memory_space<hbm>> -> memref<16x512xi32, #tpu.memory_space<hbm>>
    tpu.wait_dma2 semaphore(%arg10 : memref<!tpu.dma_semaphore, #tpu.memory_space<semaphore_mem>>) src(%dma_wait3A_148 : memref<16x512xi32, #tpu.memory_space<hbm>>) dst(%dma_wait3A_145 : memref<16x512xi32, #tpu.memory_space<vmem>>)
    %dma_wait3A_149 = arith.constant 3 : i32
    %dma_wait3A_150 = arith.constant 3 : i32
    %dma_wait3A_151 = arith.constant 0 : i32
    %dma_wait3A_152 = arith.constant 0 : i32
    %dma_wait3A_153 = tpu.memref_slice %arg5[%dma_wait3A_150, %dma_wait3A_151, %dma_wait3A_152] : memref<4x16x512xi32, #tpu.memory_space<vmem>> -> memref<1x16x512xi32, #tpu.memory_space<vmem>>
    %dma_wait3A_154 = tpu.memref_squeeze %dma_wait3A_153 : memref<1x16x512xi32, #tpu.memory_space<vmem>> -> memref<16x512xi32, #tpu.memory_space<vmem>>
    %dma_wait3A_155 = arith.constant 0 : i32
    %dma_wait3A_156 = tpu.memref_slice %arg3[%dma_wait3A_149, %mul3A_22, %dma_wait3A_155] : memref<4x512x512xi32, #tpu.memory_space<hbm>> -> memref<1x16x512xi32, #tpu.memory_space<hbm>>
    %dma_wait3A_157 = tpu.memref_squeeze %dma_wait3A_156 : memref<1x16x512xi32, #tpu.memory_space<hbm>> -> memref<16x512xi32, #tpu.memory_space<hbm>>
    %dma_wait3A_158 = arith.constant 0 : i32
    %dma_wait3A_159 = arith.constant 0 : i32
    %dma_wait3A_160 = tpu.memref_slice %arg5[%dma_wait3A_150, %dma_wait3A_158, %dma_wait3A_159] : memref<4x16x512xi32, #tpu.memory_space<vmem>> -> memref<1x16x512xi32, #tpu.memory_space<vmem>>
    %dma_wait3A_161 = tpu.memref_squeeze %dma_wait3A_160 : memref<1x16x512xi32, #tpu.memory_space<vmem>> -> memref<16x512xi32, #tpu.memory_space<vmem>>
    %dma_wait3A_162 = arith.constant 0 : i32
    %dma_wait3A_163 = tpu.memref_slice %arg3[%dma_wait3A_149, %mul3A_22, %dma_wait3A_162] : memref<4x512x512xi32, #tpu.memory_space<hbm>> -> memref<1x16x512xi32, #tpu.memory_space<hbm>>
    %dma_wait3A_164 = tpu.memref_squeeze %dma_wait3A_163 : memref<1x16x512xi32, #tpu.memory_space<hbm>> -> memref<16x512xi32, #tpu.memory_space<hbm>>
    tpu.wait_dma2 semaphore(%arg10 : memref<!tpu.dma_semaphore, #tpu.memory_space<semaphore_mem>>) src(%dma_wait3A_164 : memref<16x512xi32, #tpu.memory_space<hbm>>) dst(%dma_wait3A_161 : memref<16x512xi32, #tpu.memory_space<vmem>>)
    %parallel_loop3A = arith.constant 0 : i32
    %parallel_loop3A_165 = arith.constant 513 : i32
    %parallel_loop3A_166 = arith.constant 1 : i32
    scf.for %parallel_loop3A_189 = %parallel_loop3A to %parallel_loop3A_165 step %parallel_loop3A_166  : i32 {
      %parallel_loop3A_190 = arith.constant 16 : i32
      %parallel_loop3A_191 = arith.muli %parallel_loop3A_189, %parallel_loop3A_190 : i32
      %parallel_loop3A_192 = arith.index_cast %parallel_loop3A_191 : i32 to index
      %parallel_loop3A_193 = tpu.vector_load %arg7[%parallel_loop3A_192] {strides = array<i32>} : memref<8208xf32, #tpu.memory_space<vmem>>, vector<16xf32>,
      tpu.vector_store %arg7[%parallel_loop3A_192], %broadcast_in_dim3A_5 {strides = array<i32>} : memref<8208xf32, #tpu.memory_space<vmem>>, vector<16xf32>,
    } {sc.loop_unroll_factor = 4 : i64, sc.parallel_access}
    %scan3A = arith.constant 0 : i32
    %scan3A_167 = arith.constant 0 : i32
    %scan3A_168 = arith.constant 21 : i32
    %scan3A_169 = arith.addi %scan3A_167, %scan3A_168 : i32
    %scan3A_170 = arith.constant 1 : i32
    %scan3A_171 = scf.for %scan3A_189 = %scan3A_167 to %scan3A_169 step %scan3A_170 iter_args(%scan3A_190 = %scan3A) -> (i32)  : i32 {
      %add3A_191 = arith.constant 21 : i32
      %add3A_192 = arith.addi %add3A_191, %scan3A_189 : i32
      %dma_start3A_193 = arith.constant 1 : i32
      %dma_start3A_194 = arith.constant 0 : i32
      %dma_start3A_195 = arith.constant 0 : i32
      %dma_start3A_196 = tpu.memref_slice %arg6[%dma_start3A_193, %dma_start3A_194, %dma_start3A_195] : memref<2x16x512xf32, #tpu.memory_space<vmem>> -> memref<1x16x512xf32, #tpu.memory_space<vmem>>
      %dma_start3A_197 = tpu.memref_squeeze %dma_start3A_196 : memref<1x16x512xf32, #tpu.memory_space<vmem>> -> memref<16x512xf32, #tpu.memory_space<vmem>>
      %dma_start3A_198 = arith.constant 0 : i32
      %dma_start3A_199 = tpu.memref_slice %arg2[%add3A_192, %mul3A_22, %dma_start3A_198] : memref<84x512x512xf32, #tpu.memory_space<hbm>> -> memref<1x16x512xf32, #tpu.memory_space<hbm>>
      %dma_start3A_200 = tpu.memref_squeeze %dma_start3A_199 : memref<1x16x512xf32, #tpu.memory_space<hbm>> -> memref<16x512xf32, #tpu.memory_space<hbm>>
      %dma_start3A_201 = arith.constant 0 : i32
      %dma_start3A_202 = arith.constant 0 : i32
      %dma_start3A_203 = tpu.memref_slice %arg6[%dma_start3A_193, %dma_start3A_201, %dma_start3A_202] : memref<2x16x512xf32, #tpu.memory_space<vmem>> -> memref<1x16x512xf32, #tpu.memory_space<vmem>>
      %dma_start3A_204 = tpu.memref_squeeze %dma_start3A_203 : memref<1x16x512xf32, #tpu.memory_space<vmem>> -> memref<16x512xf32, #tpu.memory_space<vmem>>
      %dma_start3A_205 = arith.constant 0 : i32
      %dma_start3A_206 = tpu.memref_slice %arg2[%add3A_192, %mul3A_22, %dma_start3A_205] : memref<84x512x512xf32, #tpu.memory_space<hbm>> -> memref<1x16x512xf32, #tpu.memory_space<hbm>>
      %dma_start3A_207 = tpu.memref_squeeze %dma_start3A_206 : memref<1x16x512xf32, #tpu.memory_space<hbm>> -> memref<16x512xf32, #tpu.memory_space<hbm>>
      tpu.enqueue_dma source(%dma_start3A_207 : memref<16x512xf32, #tpu.memory_space<hbm>>) target(%dma_start3A_204 : memref<16x512xf32, #tpu.memory_space<vmem>>) target_semaphore(%arg10 : memref<!tpu.dma_semaphore, #tpu.memory_space<semaphore_mem>>)
      %add3A_208 = arith.constant 0 : i32
      %add3A_209 = arith.addi %add3A_208, %scan3A_189 : i32
      %dma_wait3A_210 = arith.constant 0 : i32
      %dma_wait3A_211 = arith.constant 0 : i32
      %dma_wait3A_212 = arith.constant 0 : i32
      %dma_wait3A_213 = tpu.memref_slice %arg6[%dma_wait3A_210, %dma_wait3A_211, %dma_wait3A_212] : memref<2x16x512xf32, #tpu.memory_space<vmem>> -> memref<1x16x512xf32, #tpu.memory_space<vmem>>
      %dma_wait3A_214 = tpu.memref_squeeze %dma_wait3A_213 : memref<1x16x512xf32, #tpu.memory_space<vmem>> -> memref<16x512xf32, #tpu.memory_space<vmem>>
      %dma_wait3A_215 = arith.constant 0 : i32
      %dma_wait3A_216 = tpu.memref_slice %arg2[%add3A_209, %mul3A_22, %dma_wait3A_215] : memref<84x512x512xf32, #tpu.memory_space<hbm>> -> memref<1x16x512xf32, #tpu.memory_space<hbm>>
      %dma_wait3A_217 = tpu.memref_squeeze %dma_wait3A_216 : memref<1x16x512xf32, #tpu.memory_space<hbm>> -> memref<16x512xf32, #tpu.memory_space<hbm>>
      %dma_wait3A_218 = arith.constant 0 : i32
      %dma_wait3A_219 = arith.constant 0 : i32
      %dma_wait3A_220 = tpu.memref_slice %arg6[%dma_wait3A_210, %dma_wait3A_218, %dma_wait3A_219] : memref<2x16x512xf32, #tpu.memory_space<vmem>> -> memref<1x16x512xf32, #tpu.memory_space<vmem>>
      %dma_wait3A_221 = tpu.memref_squeeze %dma_wait3A_220 : memref<1x16x512xf32, #tpu.memory_space<vmem>> -> memref<16x512xf32, #tpu.memory_space<vmem>>
      %dma_wait3A_222 = arith.constant 0 : i32
      %dma_wait3A_223 = tpu.memref_slice %arg2[%add3A_209, %mul3A_22, %dma_wait3A_222] : memref<84x512x512xf32, #tpu.memory_space<hbm>> -> memref<1x16x512xf32, #tpu.memory_space<hbm>>
      %dma_wait3A_224 = tpu.memref_squeeze %dma_wait3A_223 : memref<1x16x512xf32, #tpu.memory_space<hbm>> -> memref<16x512xf32, #tpu.memory_space<hbm>>
      tpu.wait_dma2 semaphore(%arg9 : memref<!tpu.dma_semaphore, #tpu.memory_space<semaphore_mem>>) src(%dma_wait3A_224 : memref<16x512xf32, #tpu.memory_space<hbm>>) dst(%dma_wait3A_221 : memref<16x512xf32, #tpu.memory_space<vmem>>)
      %parallel_loop3A_225 = arith.constant 0 : i32
      %parallel_loop3A_226 = arith.constant 512 : i32
      %parallel_loop3A_227 = arith.constant 1 : i32
      scf.for %parallel_loop3A_344 = %parallel_loop3A_225 to %parallel_loop3A_226 step %parallel_loop3A_227  : i32 {
        %parallel_loop3A_345 = arith.constant 5 : i32
        %parallel_loop3A_346 = arith.shrsi %parallel_loop3A_344, %parallel_loop3A_345 : i32
        %parallel_loop3A_347 = arith.constant 31 : i32
        %parallel_loop3A_348 = arith.andi %parallel_loop3A_344, %parallel_loop3A_347 : i32
        %parallel_loop3A_349 = arith.constant 16 : i32
        %parallel_loop3A_350 = arith.muli %parallel_loop3A_348, %parallel_loop3A_349 : i32
        %parallel_loop3A_351 = arith.constant 0 : i32
        %parallel_loop3A_352 = arith.index_cast %parallel_loop3A_351 : i32 to index
        %parallel_loop3A_353 = arith.index_cast %parallel_loop3A_346 : i32 to index
        %parallel_loop3A_354 = arith.index_cast %parallel_loop3A_350 : i32 to index
        %parallel_loop3A_355 = tpu.vector_load %arg6[%parallel_loop3A_352, %parallel_loop3A_353, %parallel_loop3A_354] {strides = array<i32>} : memref<2x16x512xf32, #tpu.memory_space<vmem>>, vector<16xf32>,
        %parallel_loop3A_356 = arith.constant 0 : i32
        %parallel_loop3A_357 = arith.index_cast %parallel_loop3A_356 : i32 to index
        %parallel_loop3A_358 = arith.index_cast %parallel_loop3A_346 : i32 to index
        %parallel_loop3A_359 = arith.index_cast %parallel_loop3A_350 : i32 to index
        %parallel_loop3A_360 = tpu.vector_load %arg5[%parallel_loop3A_357, %parallel_loop3A_358, %parallel_loop3A_359] {strides = array<i32>} : memref<4x16x512xi32, #tpu.memory_space<vmem>>, vector<16xi32>,
        %parallel_loop3A_361 = vector.broadcast %scan3A_189 : i32 to vector<16xi32>
        %parallel_loop3A_362 = arith.cmpi eq, %parallel_loop3A_360, %parallel_loop3A_361 : vector<16xi32>
        %parallel_loop3A_363 = arith.select %parallel_loop3A_362, %add3A_17, %add3A_20 : vector<16xi1>, vector<16xf32>
        %parallel_loop3A_364 = arith.constant -2.550000e+02 : f32
        %parallel_loop3A_365 = arith.constant 2.550000e+02 : f32
        %parallel_loop3A_366 = vector.broadcast %parallel_loop3A_364 : f32 to vector<16xf32>
        %parallel_loop3A_367 = vector.broadcast %parallel_loop3A_365 : f32 to vector<16xf32>
        %parallel_loop3A_368 = arith.select %parallel_loop3A_362, %parallel_loop3A_366, %parallel_loop3A_367 : vector<16xi1>, vector<16xf32>
        %parallel_loop3A_369 = arith.mulf %parallel_loop3A_355, %parallel_loop3A_368 : vector<16xf32>
        %parallel_loop3A_370 = arith.addf %parallel_loop3A_363, %parallel_loop3A_369 : vector<16xf32>
        %parallel_loop3A_371 = vector.bitcast %parallel_loop3A_370 : vector<16xf32> to vector<16xi32>
        %parallel_loop3A_372 = arith.constant 1258291200 : i32
        %parallel_loop3A_373 = vector.broadcast %parallel_loop3A_372 : i32 to vector<16xi32>
        %parallel_loop3A_374 = arith.subi %parallel_loop3A_371, %parallel_loop3A_373 : vector<16xi32>
        tpu.vector_store_idx %arg7[%parallel_loop3A_374], %broadcast_in_dim3A_3 {add = true} : memref<8208xf32, #tpu.memory_space<vmem>>[vector<16xi32>], vector<16xf32>,
      } {sc.loop_unroll_factor = 8 : i64, sc.parallel_access}
      %add3A_228 = arith.constant 42 : i32
      %add3A_229 = arith.addi %add3A_228, %scan3A_189 : i32
      %dma_start3A_230 = arith.constant 0 : i32
      %dma_start3A_231 = arith.constant 0 : i32
      %dma_start3A_232 = arith.constant 0 : i32
      %dma_start3A_233 = tpu.memref_slice %arg6[%dma_start3A_230, %dma_start3A_231, %dma_start3A_232] : memref<2x16x512xf32, #tpu.memory_space<vmem>> -> memref<1x16x512xf32, #tpu.memory_space<vmem>>
      %dma_start3A_234 = tpu.memref_squeeze %dma_start3A_233 : memref<1x16x512xf32, #tpu.memory_space<vmem>> -> memref<16x512xf32, #tpu.memory_space<vmem>>
      %dma_start3A_235 = arith.constant 0 : i32
      %dma_start3A_236 = tpu.memref_slice %arg2[%add3A_229, %mul3A_22, %dma_start3A_235] : memref<84x512x512xf32, #tpu.memory_space<hbm>> -> memref<1x16x512xf32, #tpu.memory_space<hbm>>
      %dma_start3A_237 = tpu.memref_squeeze %dma_start3A_236 : memref<1x16x512xf32, #tpu.memory_space<hbm>> -> memref<16x512xf32, #tpu.memory_space<hbm>>
      %dma_start3A_238 = arith.constant 0 : i32
      %dma_start3A_239 = arith.constant 0 : i32
      %dma_start3A_240 = tpu.memref_slice %arg6[%dma_start3A_230, %dma_start3A_238, %dma_start3A_239] : memref<2x16x512xf32, #tpu.memory_space<vmem>> -> memref<1x16x512xf32, #tpu.memory_space<vmem>>
      %dma_start3A_241 = tpu.memref_squeeze %dma_start3A_240 : memref<1x16x512xf32, #tpu.memory_space<vmem>> -> memref<16x512xf32, #tpu.memory_space<vmem>>
      %dma_start3A_242 = arith.constant 0 : i32
      %dma_start3A_243 = tpu.memref_slice %arg2[%add3A_229, %mul3A_22, %dma_start3A_242] : memref<84x512x512xf32, #tpu.memory_space<hbm>> -> memref<1x16x512xf32, #tpu.memory_space<hbm>>
      %dma_start3A_244 = tpu.memref_squeeze %dma_start3A_243 : memref<1x16x512xf32, #tpu.memory_space<hbm>> -> memref<16x512xf32, #tpu.memory_space<hbm>>
      tpu.enqueue_dma source(%dma_start3A_244 : memref<16x512xf32, #tpu.memory_space<hbm>>) target(%dma_start3A_241 : memref<16x512xf32, #tpu.memory_space<vmem>>) target_semaphore(%arg9 : memref<!tpu.dma_semaphore, #tpu.memory_space<semaphore_mem>>)
      %add3A_245 = arith.constant 21 : i32
      %add3A_246 = arith.addi %add3A_245, %scan3A_189 : i32
      %dma_wait3A_247 = arith.constant 1 : i32
      %dma_wait3A_248 = arith.constant 0 : i32
      %dma_wait3A_249 = arith.constant 0 : i32
      %dma_wait3A_250 = tpu.memref_slice %arg6[%dma_wait3A_247, %dma_wait3A_248, %dma_wait3A_249] : memref<2x16x512xf32, #tpu.memory_space<vmem>> -> memref<1x16x512xf32, #tpu.memory_space<vmem>>
      %dma_wait3A_251 = tpu.memref_squeeze %dma_wait3A_250 : memref<1x16x512xf32, #tpu.memory_space<vmem>> -> memref<16x512xf32, #tpu.memory_space<vmem>>
      %dma_wait3A_252 = arith.constant 0 : i32
      %dma_wait3A_253 = tpu.memref_slice %arg2[%add3A_246, %mul3A_22, %dma_wait3A_252] : memref<84x512x512xf32, #tpu.memory_space<hbm>> -> memref<1x16x512xf32, #tpu.memory_space<hbm>>
      %dma_wait3A_254 = tpu.memref_squeeze %dma_wait3A_253 : memref<1x16x512xf32, #tpu.memory_space<hbm>> -> memref<16x512xf32, #tpu.memory_space<hbm>>
      %dma_wait3A_255 = arith.constant 0 : i32
      %dma_wait3A_256 = arith.constant 0 : i32
      %dma_wait3A_257 = tpu.memref_slice %arg6[%dma_wait3A_247, %dma_wait3A_255, %dma_wait3A_256] : memref<2x16x512xf32, #tpu.memory_space<vmem>> -> memref<1x16x512xf32, #tpu.memory_space<vmem>>
      %dma_wait3A_258 = tpu.memref_squeeze %dma_wait3A_257 : memref<1x16x512xf32, #tpu.memory_space<vmem>> -> memref<16x512xf32, #tpu.memory_space<vmem>>
      %dma_wait3A_259 = arith.constant 0 : i32
      %dma_wait3A_260 = tpu.memref_slice %arg2[%add3A_246, %mul3A_22, %dma_wait3A_259] : memref<84x512x512xf32, #tpu.memory_space<hbm>> -> memref<1x16x512xf32, #tpu.memory_space<hbm>>
      %dma_wait3A_261 = tpu.memref_squeeze %dma_wait3A_260 : memref<1x16x512xf32, #tpu.memory_space<hbm>> -> memref<16x512xf32, #tpu.memory_space<hbm>>
      tpu.wait_dma2 semaphore(%arg10 : memref<!tpu.dma_semaphore, #tpu.memory_space<semaphore_mem>>) src(%dma_wait3A_261 : memref<16x512xf32, #tpu.memory_space<hbm>>) dst(%dma_wait3A_258 : memref<16x512xf32, #tpu.memory_space<vmem>>)
      %parallel_loop3A_262 = arith.constant 0 : i32
      %parallel_loop3A_263 = arith.constant 512 : i32
      %parallel_loop3A_264 = arith.constant 1 : i32
      scf.for %parallel_loop3A_344 = %parallel_loop3A_262 to %parallel_loop3A_263 step %parallel_loop3A_264  : i32 {
        %parallel_loop3A_345 = arith.constant 5 : i32
        %parallel_loop3A_346 = arith.shrsi %parallel_loop3A_344, %parallel_loop3A_345 : i32
        %parallel_loop3A_347 = arith.constant 31 : i32
        %parallel_loop3A_348 = arith.andi %parallel_loop3A_344, %parallel_loop3A_347 : i32
        %parallel_loop3A_349 = arith.constant 16 : i32
        %parallel_loop3A_350 = arith.muli %parallel_loop3A_348, %parallel_loop3A_349 : i32
        %parallel_loop3A_351 = arith.constant 1 : i32
        %parallel_loop3A_352 = arith.index_cast %parallel_loop3A_351 : i32 to index
        %parallel_loop3A_353 = arith.index_cast %parallel_loop3A_346 : i32 to index
        %parallel_loop3A_354 = arith.index_cast %parallel_loop3A_350 : i32 to index
        %parallel_loop3A_355 = tpu.vector_load %arg6[%parallel_loop3A_352, %parallel_loop3A_353, %parallel_loop3A_354] {strides = array<i32>} : memref<2x16x512xf32, #tpu.memory_space<vmem>>, vector<16xf32>,
        %parallel_loop3A_356 = arith.constant 1 : i32
        %parallel_loop3A_357 = arith.index_cast %parallel_loop3A_356 : i32 to index
        %parallel_loop3A_358 = arith.index_cast %parallel_loop3A_346 : i32 to index
        %parallel_loop3A_359 = arith.index_cast %parallel_loop3A_350 : i32 to index
        %parallel_loop3A_360 = tpu.vector_load %arg5[%parallel_loop3A_357, %parallel_loop3A_358, %parallel_loop3A_359] {strides = array<i32>} : memref<4x16x512xi32, #tpu.memory_space<vmem>>, vector<16xi32>,
        %parallel_loop3A_361 = vector.broadcast %scan3A_189 : i32 to vector<16xi32>
        %parallel_loop3A_362 = arith.cmpi eq, %parallel_loop3A_360, %parallel_loop3A_361 : vector<16xi32>
        %parallel_loop3A_363 = arith.select %parallel_loop3A_362, %add3A_17, %add3A_20 : vector<16xi1>, vector<16xf32>
        %parallel_loop3A_364 = arith.constant -2.550000e+02 : f32
        %parallel_loop3A_365 = arith.constant 2.550000e+02 : f32
        %parallel_loop3A_366 = vector.broadcast %parallel_loop3A_364 : f32 to vector<16xf32>
        %parallel_loop3A_367 = vector.broadcast %parallel_loop3A_365 : f32 to vector<16xf32>
        %parallel_loop3A_368 = arith.select %parallel_loop3A_362, %parallel_loop3A_366, %parallel_loop3A_367 : vector<16xi1>, vector<16xf32>
        %parallel_loop3A_369 = arith.mulf %parallel_loop3A_355, %parallel_loop3A_368 : vector<16xf32>
        %parallel_loop3A_370 = arith.addf %parallel_loop3A_363, %parallel_loop3A_369 : vector<16xf32>
        %parallel_loop3A_371 = vector.bitcast %parallel_loop3A_370 : vector<16xf32> to vector<16xi32>
        %parallel_loop3A_372 = arith.constant 1258291200 : i32
        %parallel_loop3A_373 = vector.broadcast %parallel_loop3A_372 : i32 to vector<16xi32>
        %parallel_loop3A_374 = arith.subi %parallel_loop3A_371, %parallel_loop3A_373 : vector<16xi32>
        tpu.vector_store_idx %arg7[%parallel_loop3A_374], %broadcast_in_dim3A_3 {add = true} : memref<8208xf32, #tpu.memory_space<vmem>>[vector<16xi32>], vector<16xf32>,
      } {sc.loop_unroll_factor = 8 : i64, sc.parallel_access}
      %add3A_265 = arith.constant 63 : i32
      %add3A_266 = arith.addi %add3A_265, %scan3A_189 : i32
      %dma_start3A_267 = arith.constant 1 : i32
      %dma_start3A_268 = arith.constant 0 : i32
      %dma_start3A_269 = arith.constant 0 : i32
      %dma_start3A_270 = tpu.memref_slice %arg6[%dma_start3A_267, %dma_start3A_268, %dma_start3A_269] : memref<2x16x512xf32, #tpu.memory_space<vmem>> -> memref<1x16x512xf32, #tpu.memory_space<vmem>>
      %dma_start3A_271 = tpu.memref_squeeze %dma_start3A_270 : memref<1x16x512xf32, #tpu.memory_space<vmem>> -> memref<16x512xf32, #tpu.memory_space<vmem>>
      %dma_start3A_272 = arith.constant 0 : i32
      %dma_start3A_273 = tpu.memref_slice %arg2[%add3A_266, %mul3A_22, %dma_start3A_272] : memref<84x512x512xf32, #tpu.memory_space<hbm>> -> memref<1x16x512xf32, #tpu.memory_space<hbm>>
      %dma_start3A_274 = tpu.memref_squeeze %dma_start3A_273 : memref<1x16x512xf32, #tpu.memory_space<hbm>> -> memref<16x512xf32, #tpu.memory_space<hbm>>
      %dma_start3A_275 = arith.constant 0 : i32
      %dma_start3A_276 = arith.constant 0 : i32
      %dma_start3A_277 = tpu.memref_slice %arg6[%dma_start3A_267, %dma_start3A_275, %dma_start3A_276] : memref<2x16x512xf32, #tpu.memory_space<vmem>> -> memref<1x16x512xf32, #tpu.memory_space<vmem>>
      %dma_start3A_278 = tpu.memref_squeeze %dma_start3A_277 : memref<1x16x512xf32, #tpu.memory_space<vmem>> -> memref<16x512xf32, #tpu.memory_space<vmem>>
      %dma_start3A_279 = arith.constant 0 : i32
      %dma_start3A_280 = tpu.memref_slice %arg2[%add3A_266, %mul3A_22, %dma_start3A_279] : memref<84x512x512xf32, #tpu.memory_space<hbm>> -> memref<1x16x512xf32, #tpu.memory_space<hbm>>
      %dma_start3A_281 = tpu.memref_squeeze %dma_start3A_280 : memref<1x16x512xf32, #tpu.memory_space<hbm>> -> memref<16x512xf32, #tpu.memory_space<hbm>>
      tpu.enqueue_dma source(%dma_start3A_281 : memref<16x512xf32, #tpu.memory_space<hbm>>) target(%dma_start3A_278 : memref<16x512xf32, #tpu.memory_space<vmem>>) target_semaphore(%arg10 : memref<!tpu.dma_semaphore, #tpu.memory_space<semaphore_mem>>)
      %add3A_282 = arith.constant 42 : i32
      %add3A_283 = arith.addi %add3A_282, %scan3A_189 : i32
      %dma_wait3A_284 = arith.constant 0 : i32
      %dma_wait3A_285 = arith.constant 0 : i32
      %dma_wait3A_286 = arith.constant 0 : i32
      %dma_wait3A_287 = tpu.memref_slice %arg6[%dma_wait3A_284, %dma_wait3A_285, %dma_wait3A_286] : memref<2x16x512xf32, #tpu.memory_space<vmem>> -> memref<1x16x512xf32, #tpu.memory_space<vmem>>
      %dma_wait3A_288 = tpu.memref_squeeze %dma_wait3A_287 : memref<1x16x512xf32, #tpu.memory_space<vmem>> -> memref<16x512xf32, #tpu.memory_space<vmem>>
      %dma_wait3A_289 = arith.constant 0 : i32
      %dma_wait3A_290 = tpu.memref_slice %arg2[%add3A_283, %mul3A_22, %dma_wait3A_289] : memref<84x512x512xf32, #tpu.memory_space<hbm>> -> memref<1x16x512xf32, #tpu.memory_space<hbm>>
      %dma_wait3A_291 = tpu.memref_squeeze %dma_wait3A_290 : memref<1x16x512xf32, #tpu.memory_space<hbm>> -> memref<16x512xf32, #tpu.memory_space<hbm>>
      %dma_wait3A_292 = arith.constant 0 : i32
      %dma_wait3A_293 = arith.constant 0 : i32
      %dma_wait3A_294 = tpu.memref_slice %arg6[%dma_wait3A_284, %dma_wait3A_292, %dma_wait3A_293] : memref<2x16x512xf32, #tpu.memory_space<vmem>> -> memref<1x16x512xf32, #tpu.memory_space<vmem>>
      %dma_wait3A_295 = tpu.memref_squeeze %dma_wait3A_294 : memref<1x16x512xf32, #tpu.memory_space<vmem>> -> memref<16x512xf32, #tpu.memory_space<vmem>>
      %dma_wait3A_296 = arith.constant 0 : i32
      %dma_wait3A_297 = tpu.memref_slice %arg2[%add3A_283, %mul3A_22, %dma_wait3A_296] : memref<84x512x512xf32, #tpu.memory_space<hbm>> -> memref<1x16x512xf32, #tpu.memory_space<hbm>>
      %dma_wait3A_298 = tpu.memref_squeeze %dma_wait3A_297 : memref<1x16x512xf32, #tpu.memory_space<hbm>> -> memref<16x512xf32, #tpu.memory_space<hbm>>
      tpu.wait_dma2 semaphore(%arg9 : memref<!tpu.dma_semaphore, #tpu.memory_space<semaphore_mem>>) src(%dma_wait3A_298 : memref<16x512xf32, #tpu.memory_space<hbm>>) dst(%dma_wait3A_295 : memref<16x512xf32, #tpu.memory_space<vmem>>)
      %parallel_loop3A_299 = arith.constant 0 : i32
      %parallel_loop3A_300 = arith.constant 512 : i32
      %parallel_loop3A_301 = arith.constant 1 : i32
      scf.for %parallel_loop3A_344 = %parallel_loop3A_299 to %parallel_loop3A_300 step %parallel_loop3A_301  : i32 {
        %parallel_loop3A_345 = arith.constant 5 : i32
        %parallel_loop3A_346 = arith.shrsi %parallel_loop3A_344, %parallel_loop3A_345 : i32
        %parallel_loop3A_347 = arith.constant 31 : i32
        %parallel_loop3A_348 = arith.andi %parallel_loop3A_344, %parallel_loop3A_347 : i32
        %parallel_loop3A_349 = arith.constant 16 : i32
        %parallel_loop3A_350 = arith.muli %parallel_loop3A_348, %parallel_loop3A_349 : i32
        %parallel_loop3A_351 = arith.constant 0 : i32
        %parallel_loop3A_352 = arith.index_cast %parallel_loop3A_351 : i32 to index
        %parallel_loop3A_353 = arith.index_cast %parallel_loop3A_346 : i32 to index
        %parallel_loop3A_354 = arith.index_cast %parallel_loop3A_350 : i32 to index
        %parallel_loop3A_355 = tpu.vector_load %arg6[%parallel_loop3A_352, %parallel_loop3A_353, %parallel_loop3A_354] {strides = array<i32>} : memref<2x16x512xf32, #tpu.memory_space<vmem>>, vector<16xf32>,
        %parallel_loop3A_356 = arith.constant 2 : i32
        %parallel_loop3A_357 = arith.index_cast %parallel_loop3A_356 : i32 to index
        %parallel_loop3A_358 = arith.index_cast %parallel_loop3A_346 : i32 to index
        %parallel_loop3A_359 = arith.index_cast %parallel_loop3A_350 : i32 to index
        %parallel_loop3A_360 = tpu.vector_load %arg5[%parallel_loop3A_357, %parallel_loop3A_358, %parallel_loop3A_359] {strides = array<i32>} : memref<4x16x512xi32, #tpu.memory_space<vmem>>, vector<16xi32>,
        %parallel_loop3A_361 = vector.broadcast %scan3A_189 : i32 to vector<16xi32>
        %parallel_loop3A_362 = arith.cmpi eq, %parallel_loop3A_360, %parallel_loop3A_361 : vector<16xi32>
        %parallel_loop3A_363 = arith.select %parallel_loop3A_362, %add3A_17, %add3A_20 : vector<16xi1>, vector<16xf32>
        %parallel_loop3A_364 = arith.constant -2.550000e+02 : f32
        %parallel_loop3A_365 = arith.constant 2.550000e+02 : f32
        %parallel_loop3A_366 = vector.broadcast %parallel_loop3A_364 : f32 to vector<16xf32>
        %parallel_loop3A_367 = vector.broadcast %parallel_loop3A_365 : f32 to vector<16xf32>
        %parallel_loop3A_368 = arith.select %parallel_loop3A_362, %parallel_loop3A_366, %parallel_loop3A_367 : vector<16xi1>, vector<16xf32>
        %parallel_loop3A_369 = arith.mulf %parallel_loop3A_355, %parallel_loop3A_368 : vector<16xf32>
        %parallel_loop3A_370 = arith.addf %parallel_loop3A_363, %parallel_loop3A_369 : vector<16xf32>
        %parallel_loop3A_371 = vector.bitcast %parallel_loop3A_370 : vector<16xf32> to vector<16xi32>
        %parallel_loop3A_372 = arith.constant 1258291200 : i32
        %parallel_loop3A_373 = vector.broadcast %parallel_loop3A_372 : i32 to vector<16xi32>
        %parallel_loop3A_374 = arith.subi %parallel_loop3A_371, %parallel_loop3A_373 : vector<16xi32>
        tpu.vector_store_idx %arg7[%parallel_loop3A_374], %broadcast_in_dim3A_3 {add = true} : memref<8208xf32, #tpu.memory_space<vmem>>[vector<16xi32>], vector<16xf32>,
      } {sc.loop_unroll_factor = 8 : i64, sc.parallel_access}
      %add3A_302 = arith.constant 1 : i32
      %add3A_303 = arith.addi %scan3A_189, %add3A_302 : i32
      %min3A = arith.constant 20 : i32
      %min3A_304 = arith.minsi %add3A_303, %min3A : i32
      %dma_start3A_305 = arith.constant 0 : i32
      %dma_start3A_306 = arith.constant 0 : i32
      %dma_start3A_307 = arith.constant 0 : i32
      %dma_start3A_308 = tpu.memref_slice %arg6[%dma_start3A_305, %dma_start3A_306, %dma_start3A_307] : memref<2x16x512xf32, #tpu.memory_space<vmem>> -> memref<1x16x512xf32, #tpu.memory_space<vmem>>
      %dma_start3A_309 = tpu.memref_squeeze %dma_start3A_308 : memref<1x16x512xf32, #tpu.memory_space<vmem>> -> memref<16x512xf32, #tpu.memory_space<vmem>>
      %dma_start3A_310 = arith.constant 0 : i32
      %dma_start3A_311 = tpu.memref_slice %arg2[%min3A_304, %mul3A_22, %dma_start3A_310] : memref<84x512x512xf32, #tpu.memory_space<hbm>> -> memref<1x16x512xf32, #tpu.memory_space<hbm>>
      %dma_start3A_312 = tpu.memref_squeeze %dma_start3A_311 : memref<1x16x512xf32, #tpu.memory_space<hbm>> -> memref<16x512xf32, #tpu.memory_space<hbm>>
      %dma_start3A_313 = arith.constant 0 : i32
      %dma_start3A_314 = arith.constant 0 : i32
      %dma_start3A_315 = tpu.memref_slice %arg6[%dma_start3A_305, %dma_start3A_313, %dma_start3A_314] : memref<2x16x512xf32, #tpu.memory_space<vmem>> -> memref<1x16x512xf32, #tpu.memory_space<vmem>>
      %dma_start3A_316 = tpu.memref_squeeze %dma_start3A_315 : memref<1x16x512xf32, #tpu.memory_space<vmem>> -> memref<16x512xf32, #tpu.memory_space<vmem>>
      %dma_start3A_317 = arith.constant 0 : i32
      %dma_start3A_318 = tpu.memref_slice %arg2[%min3A_304, %mul3A_22, %dma_start3A_317] : memref<84x512x512xf32, #tpu.memory_space<hbm>> -> memref<1x16x512xf32, #tpu.memory_space<hbm>>
      %dma_start3A_319 = tpu.memref_squeeze %dma_start3A_318 : memref<1x16x512xf32, #tpu.memory_space<hbm>> -> memref<16x512xf32, #tpu.memory_space<hbm>>
      tpu.enqueue_dma source(%dma_start3A_319 : memref<16x512xf32, #tpu.memory_space<hbm>>) target(%dma_start3A_316 : memref<16x512xf32, #tpu.memory_space<vmem>>) target_semaphore(%arg9 : memref<!tpu.dma_semaphore, #tpu.memory_space<semaphore_mem>>)
      %add3A_320 = arith.constant 63 : i32
      %add3A_321 = arith.addi %add3A_320, %scan3A_189 : i32
      %dma_wait3A_322 = arith.constant 1 : i32
      %dma_wait3A_323 = arith.constant 0 : i32
      %dma_wait3A_324 = arith.constant 0 : i32
      %dma_wait3A_325 = tpu.memref_slice %arg6[%dma_wait3A_322, %dma_wait3A_323, %dma_wait3A_324] : memref<2x16x512xf32, #tpu.memory_space<vmem>> -> memref<1x16x512xf32, #tpu.memory_space<vmem>>
      %dma_wait3A_326 = tpu.memref_squeeze %dma_wait3A_325 : memref<1x16x512xf32, #tpu.memory_space<vmem>> -> memref<16x512xf32, #tpu.memory_space<vmem>>
      %dma_wait3A_327 = arith.constant 0 : i32
      %dma_wait3A_328 = tpu.memref_slice %arg2[%add3A_321, %mul3A_22, %dma_wait3A_327] : memref<84x512x512xf32, #tpu.memory_space<hbm>> -> memref<1x16x512xf32, #tpu.memory_space<hbm>>
      %dma_wait3A_329 = tpu.memref_squeeze %dma_wait3A_328 : memref<1x16x512xf32, #tpu.memory_space<hbm>> -> memref<16x512xf32, #tpu.memory_space<hbm>>
      %dma_wait3A_330 = arith.constant 0 : i32
      %dma_wait3A_331 = arith.constant 0 : i32
      %dma_wait3A_332 = tpu.memref_slice %arg6[%dma_wait3A_322, %dma_wait3A_330, %dma_wait3A_331] : memref<2x16x512xf32, #tpu.memory_space<vmem>> -> memref<1x16x512xf32, #tpu.memory_space<vmem>>
      %dma_wait3A_333 = tpu.memref_squeeze %dma_wait3A_332 : memref<1x16x512xf32, #tpu.memory_space<vmem>> -> memref<16x512xf32, #tpu.memory_space<vmem>>
      %dma_wait3A_334 = arith.constant 0 : i32
      %dma_wait3A_335 = tpu.memref_slice %arg2[%add3A_321, %mul3A_22, %dma_wait3A_334] : memref<84x512x512xf32, #tpu.memory_space<hbm>> -> memref<1x16x512xf32, #tpu.memory_space<hbm>>
      %dma_wait3A_336 = tpu.memref_squeeze %dma_wait3A_335 : memref<1x16x512xf32, #tpu.memory_space<hbm>> -> memref<16x512xf32, #tpu.memory_space<hbm>>
      tpu.wait_dma2 semaphore(%arg10 : memref<!tpu.dma_semaphore, #tpu.memory_space<semaphore_mem>>) src(%dma_wait3A_336 : memref<16x512xf32, #tpu.memory_space<hbm>>) dst(%dma_wait3A_333 : memref<16x512xf32, #tpu.memory_space<vmem>>)
      %parallel_loop3A_337 = arith.constant 0 : i32
      %parallel_loop3A_338 = arith.constant 512 : i32
      %parallel_loop3A_339 = arith.constant 1 : i32
      scf.for %parallel_loop3A_344 = %parallel_loop3A_337 to %parallel_loop3A_338 step %parallel_loop3A_339  : i32 {
        %parallel_loop3A_345 = arith.constant 5 : i32
        %parallel_loop3A_346 = arith.shrsi %parallel_loop3A_344, %parallel_loop3A_345 : i32
        %parallel_loop3A_347 = arith.constant 31 : i32
        %parallel_loop3A_348 = arith.andi %parallel_loop3A_344, %parallel_loop3A_347 : i32
        %parallel_loop3A_349 = arith.constant 16 : i32
        %parallel_loop3A_350 = arith.muli %parallel_loop3A_348, %parallel_loop3A_349 : i32
        %parallel_loop3A_351 = arith.constant 1 : i32
        %parallel_loop3A_352 = arith.index_cast %parallel_loop3A_351 : i32 to index
        %parallel_loop3A_353 = arith.index_cast %parallel_loop3A_346 : i32 to index
        %parallel_loop3A_354 = arith.index_cast %parallel_loop3A_350 : i32 to index
        %parallel_loop3A_355 = tpu.vector_load %arg6[%parallel_loop3A_352, %parallel_loop3A_353, %parallel_loop3A_354] {strides = array<i32>} : memref<2x16x512xf32, #tpu.memory_space<vmem>>, vector<16xf32>,
        %parallel_loop3A_356 = arith.constant 3 : i32
        %parallel_loop3A_357 = arith.index_cast %parallel_loop3A_356 : i32 to index
        %parallel_loop3A_358 = arith.index_cast %parallel_loop3A_346 : i32 to index
        %parallel_loop3A_359 = arith.index_cast %parallel_loop3A_350 : i32 to index
        %parallel_loop3A_360 = tpu.vector_load %arg5[%parallel_loop3A_357, %parallel_loop3A_358, %parallel_loop3A_359] {strides = array<i32>} : memref<4x16x512xi32, #tpu.memory_space<vmem>>, vector<16xi32>,
        %parallel_loop3A_361 = vector.broadcast %scan3A_189 : i32 to vector<16xi32>
        %parallel_loop3A_362 = arith.cmpi eq, %parallel_loop3A_360, %parallel_loop3A_361 : vector<16xi32>
        %parallel_loop3A_363 = arith.select %parallel_loop3A_362, %add3A_17, %add3A_20 : vector<16xi1>, vector<16xf32>
        %parallel_loop3A_364 = arith.constant -2.550000e+02 : f32
        %parallel_loop3A_365 = arith.constant 2.550000e+02 : f32
        %parallel_loop3A_366 = vector.broadcast %parallel_loop3A_364 : f32 to vector<16xf32>
        %parallel_loop3A_367 = vector.broadcast %parallel_loop3A_365 : f32 to vector<16xf32>
        %parallel_loop3A_368 = arith.select %parallel_loop3A_362, %parallel_loop3A_366, %parallel_loop3A_367 : vector<16xi1>, vector<16xf32>
        %parallel_loop3A_369 = arith.mulf %parallel_loop3A_355, %parallel_loop3A_368 : vector<16xf32>
        %parallel_loop3A_370 = arith.addf %parallel_loop3A_363, %parallel_loop3A_369 : vector<16xf32>
        %parallel_loop3A_371 = vector.bitcast %parallel_loop3A_370 : vector<16xf32> to vector<16xi32>
        %parallel_loop3A_372 = arith.constant 1258291200 : i32
        %parallel_loop3A_373 = vector.broadcast %parallel_loop3A_372 : i32 to vector<16xi32>
        %parallel_loop3A_374 = arith.subi %parallel_loop3A_371, %parallel_loop3A_373 : vector<16xi32>
        tpu.vector_store_idx %arg7[%parallel_loop3A_374], %broadcast_in_dim3A_3 {add = true} : memref<8208xf32, #tpu.memory_space<vmem>>[vector<16xi32>], vector<16xf32>,
      } {sc.loop_unroll_factor = 8 : i64, sc.parallel_access}
      %parallel_loop3A_340 = arith.constant 0 : i32
      %parallel_loop3A_341 = arith.constant 32 : i32
      %parallel_loop3A_342 = arith.constant 1 : i32
      scf.for %parallel_loop3A_344 = %parallel_loop3A_340 to %parallel_loop3A_341 step %parallel_loop3A_342  : i32 {
        %parallel_loop3A_345 = arith.constant 16 : i32
        %parallel_loop3A_346 = arith.muli %parallel_loop3A_344, %parallel_loop3A_345 : i32
        %parallel_loop3A_347 = arith.constant 0 : i32
        %parallel_loop3A_348 = arith.addi %parallel_loop3A_347, %parallel_loop3A_346 : i32
        %parallel_loop3A_349 = arith.index_cast %parallel_loop3A_348 : i32 to index
        %parallel_loop3A_350 = tpu.vector_load %arg7[%parallel_loop3A_349] {strides = array<i32>} : memref<8208xf32, #tpu.memory_space<vmem>>, vector<16xf32>,
        %parallel_loop3A_351 = arith.index_cast %parallel_loop3A_348 : i32 to index
        %parallel_loop3A_352 = tpu.vector_load %arg7[%parallel_loop3A_351] {strides = array<i32>} : memref<8208xf32, #tpu.memory_space<vmem>>, vector<16xf32>,
        tpu.vector_store %arg7[%parallel_loop3A_351], %broadcast_in_dim3A_5 {strides = array<i32>} : memref<8208xf32, #tpu.memory_space<vmem>>, vector<16xf32>,
        %parallel_loop3A_353 = arith.constant 16 : i32
        %parallel_loop3A_354 = arith.muli %parallel_loop3A_344, %parallel_loop3A_353 : i32
        %parallel_loop3A_355 = arith.constant 513 : i32
        %parallel_loop3A_356 = arith.addi %parallel_loop3A_355, %parallel_loop3A_354 : i32
        %parallel_loop3A_357 = arith.index_cast %parallel_loop3A_356 : i32 to index
        %parallel_loop3A_358 = tpu.vector_load %arg7[%parallel_loop3A_357] {strides = array<i32>} : memref<8208xf32, #tpu.memory_space<vmem>>, vector<16xf32>,
        %parallel_loop3A_359 = arith.index_cast %parallel_loop3A_356 : i32 to index
        %parallel_loop3A_360 = tpu.vector_load %arg7[%parallel_loop3A_359] {strides = array<i32>} : memref<8208xf32, #tpu.memory_space<vmem>>, vector<16xf32>,
        tpu.vector_store %arg7[%parallel_loop3A_359], %broadcast_in_dim3A_5 {strides = array<i32>} : memref<8208xf32, #tpu.memory_space<vmem>>, vector<16xf32>,
        %parallel_loop3A_361 = arith.constant 16 : i32
        %parallel_loop3A_362 = arith.muli %parallel_loop3A_344, %parallel_loop3A_361 : i32
        %parallel_loop3A_363 = arith.constant 1026 : i32
        %parallel_loop3A_364 = arith.addi %parallel_loop3A_363, %parallel_loop3A_362 : i32
        %parallel_loop3A_365 = arith.index_cast %parallel_loop3A_364 : i32 to index
        %parallel_loop3A_366 = tpu.vector_load %arg7[%parallel_loop3A_365] {strides = array<i32>} : memref<8208xf32, #tpu.memory_space<vmem>>, vector<16xf32>,
        %parallel_loop3A_367 = arith.index_cast %parallel_loop3A_364 : i32 to index
        %parallel_loop3A_368 = tpu.vector_load %arg7[%parallel_loop3A_367] {strides = array<i32>} : memref<8208xf32, #tpu.memory_space<vmem>>, vector<16xf32>,
        tpu.vector_store %arg7[%parallel_loop3A_367], %broadcast_in_dim3A_5 {strides = array<i32>} : memref<8208xf32, #tpu.memory_space<vmem>>, vector<16xf32>,
        %parallel_loop3A_369 = arith.constant 16 : i32
        %parallel_loop3A_370 = arith.muli %parallel_loop3A_344, %parallel_loop3A_369 : i32
        %parallel_loop3A_371 = arith.constant 1539 : i32
        %parallel_loop3A_372 = arith.addi %parallel_loop3A_371, %parallel_loop3A_370 : i32
        %parallel_loop3A_373 = arith.index_cast %parallel_loop3A_372 : i32 to index
        %parallel_loop3A_374 = tpu.vector_load %arg7[%parallel_loop3A_373] {strides = array<i32>} : memref<8208xf32, #tpu.memory_space<vmem>>, vector<16xf32>,
        %parallel_loop3A_375 = arith.index_cast %parallel_loop3A_372 : i32 to index
        %parallel_loop3A_376 = tpu.vector_load %arg7[%parallel_loop3A_375] {strides = array<i32>} : memref<8208xf32, #tpu.memory_space<vmem>>, vector<16xf32>,
        tpu.vector_store %arg7[%parallel_loop3A_375], %broadcast_in_dim3A_5 {strides = array<i32>} : memref<8208xf32, #tpu.memory_space<vmem>>, vector<16xf32>,
        %parallel_loop3A_377 = arith.constant 16 : i32
        %parallel_loop3A_378 = arith.muli %parallel_loop3A_344, %parallel_loop3A_377 : i32
        %parallel_loop3A_379 = arith.constant 2052 : i32
        %parallel_loop3A_380 = arith.addi %parallel_loop3A_379, %parallel_loop3A_378 : i32
        %parallel_loop3A_381 = arith.index_cast %parallel_loop3A_380 : i32 to index
        %parallel_loop3A_382 = tpu.vector_load %arg7[%parallel_loop3A_381] {strides = array<i32>} : memref<8208xf32, #tpu.memory_space<vmem>>, vector<16xf32>,
        %parallel_loop3A_383 = arith.index_cast %parallel_loop3A_380 : i32 to index
        %parallel_loop3A_384 = tpu.vector_load %arg7[%parallel_loop3A_383] {strides = array<i32>} : memref<8208xf32, #tpu.memory_space<vmem>>, vector<16xf32>,
        tpu.vector_store %arg7[%parallel_loop3A_383], %broadcast_in_dim3A_5 {strides = array<i32>} : memref<8208xf32, #tpu.memory_space<vmem>>, vector<16xf32>,
        %parallel_loop3A_385 = arith.constant 16 : i32
        %parallel_loop3A_386 = arith.muli %parallel_loop3A_344, %parallel_loop3A_385 : i32
        %parallel_loop3A_387 = arith.constant 2565 : i32
        %parallel_loop3A_388 = arith.addi %parallel_loop3A_387, %parallel_loop3A_386 : i32
        %parallel_loop3A_389 = arith.index_cast %parallel_loop3A_388 : i32 to index
        %parallel_loop3A_390 = tpu.vector_load %arg7[%parallel_loop3A_389] {strides = array<i32>} : memref<8208xf32, #tpu.memory_space<vmem>>, vector<16xf32>,
        %parallel_loop3A_391 = arith.index_cast %parallel_loop3A_388 : i32 to index
        %parallel_loop3A_392 = tpu.vector_load %arg7[%parallel_loop3A_391] {strides = array<i32>} : memref<8208xf32, #tpu.memory_space<vmem>>, vector<16xf32>,
        tpu.vector_store %arg7[%parallel_loop3A_391], %broadcast_in_dim3A_5 {strides = array<i32>} : memref<8208xf32, #tpu.memory_space<vmem>>, vector<16xf32>,
        %parallel_loop3A_393 = arith.constant 16 : i32
        %parallel_loop3A_394 = arith.muli %parallel_loop3A_344, %parallel_loop3A_393 : i32
        %parallel_loop3A_395 = arith.constant 3078 : i32
        %parallel_loop3A_396 = arith.addi %parallel_loop3A_395, %parallel_loop3A_394 : i32
        %parallel_loop3A_397 = arith.index_cast %parallel_loop3A_396 : i32 to index
        %parallel_loop3A_398 = tpu.vector_load %arg7[%parallel_loop3A_397] {strides = array<i32>} : memref<8208xf32, #tpu.memory_space<vmem>>, vector<16xf32>,
        %parallel_loop3A_399 = arith.index_cast %parallel_loop3A_396 : i32 to index
        %parallel_loop3A_400 = tpu.vector_load %arg7[%parallel_loop3A_399] {strides = array<i32>} : memref<8208xf32, #tpu.memory_space<vmem>>, vector<16xf32>,
        tpu.vector_store %arg7[%parallel_loop3A_399], %broadcast_in_dim3A_5 {strides = array<i32>} : memref<8208xf32, #tpu.memory_space<vmem>>, vector<16xf32>,
        %parallel_loop3A_401 = arith.constant 16 : i32
        %parallel_loop3A_402 = arith.muli %parallel_loop3A_344, %parallel_loop3A_401 : i32
        %parallel_loop3A_403 = arith.constant 3591 : i32
        %parallel_loop3A_404 = arith.addi %parallel_loop3A_403, %parallel_loop3A_402 : i32
        %parallel_loop3A_405 = arith.index_cast %parallel_loop3A_404 : i32 to index
        %parallel_loop3A_406 = tpu.vector_load %arg7[%parallel_loop3A_405] {strides = array<i32>} : memref<8208xf32, #tpu.memory_space<vmem>>, vector<16xf32>,
        %parallel_loop3A_407 = arith.index_cast %parallel_loop3A_404 : i32 to index
        %parallel_loop3A_408 = tpu.vector_load %arg7[%parallel_loop3A_407] {strides = array<i32>} : memref<8208xf32, #tpu.memory_space<vmem>>, vector<16xf32>,
        tpu.vector_store %arg7[%parallel_loop3A_407], %broadcast_in_dim3A_5 {strides = array<i32>} : memref<8208xf32, #tpu.memory_space<vmem>>, vector<16xf32>,
        %parallel_loop3A_409 = arith.constant 16 : i32
        %parallel_loop3A_410 = arith.muli %parallel_loop3A_344, %parallel_loop3A_409 : i32
        %parallel_loop3A_411 = arith.constant 4104 : i32
        %parallel_loop3A_412 = arith.addi %parallel_loop3A_411, %parallel_loop3A_410 : i32
        %parallel_loop3A_413 = arith.index_cast %parallel_loop3A_412 : i32 to index
        %parallel_loop3A_414 = tpu.vector_load %arg7[%parallel_loop3A_413] {strides = array<i32>} : memref<8208xf32, #tpu.memory_space<vmem>>, vector<16xf32>,
        %parallel_loop3A_415 = arith.index_cast %parallel_loop3A_412 : i32 to index
        %parallel_loop3A_416 = tpu.vector_load %arg7[%parallel_loop3A_415] {strides = array<i32>} : memref<8208xf32, #tpu.memory_space<vmem>>, vector<16xf32>,
        tpu.vector_store %arg7[%parallel_loop3A_415], %broadcast_in_dim3A_5 {strides = array<i32>} : memref<8208xf32, #tpu.memory_space<vmem>>, vector<16xf32>,
        %parallel_loop3A_417 = arith.constant 16 : i32
        %parallel_loop3A_418 = arith.muli %parallel_loop3A_344, %parallel_loop3A_417 : i32
        %parallel_loop3A_419 = arith.constant 4617 : i32
        %parallel_loop3A_420 = arith.addi %parallel_loop3A_419, %parallel_loop3A_418 : i32
        %parallel_loop3A_421 = arith.index_cast %parallel_loop3A_420 : i32 to index
        %parallel_loop3A_422 = tpu.vector_load %arg7[%parallel_loop3A_421] {strides = array<i32>} : memref<8208xf32, #tpu.memory_space<vmem>>, vector<16xf32>,
        %parallel_loop3A_423 = arith.index_cast %parallel_loop3A_420 : i32 to index
        %parallel_loop3A_424 = tpu.vector_load %arg7[%parallel_loop3A_423] {strides = array<i32>} : memref<8208xf32, #tpu.memory_space<vmem>>, vector<16xf32>,
        tpu.vector_store %arg7[%parallel_loop3A_423], %broadcast_in_dim3A_5 {strides = array<i32>} : memref<8208xf32, #tpu.memory_space<vmem>>, vector<16xf32>,
        %parallel_loop3A_425 = arith.constant 16 : i32
        %parallel_loop3A_426 = arith.muli %parallel_loop3A_344, %parallel_loop3A_425 : i32
        %parallel_loop3A_427 = arith.constant 5130 : i32
        %parallel_loop3A_428 = arith.addi %parallel_loop3A_427, %parallel_loop3A_426 : i32
        %parallel_loop3A_429 = arith.index_cast %parallel_loop3A_428 : i32 to index
        %parallel_loop3A_430 = tpu.vector_load %arg7[%parallel_loop3A_429] {strides = array<i32>} : memref<8208xf32, #tpu.memory_space<vmem>>, vector<16xf32>,
        %parallel_loop3A_431 = arith.index_cast %parallel_loop3A_428 : i32 to index
        %parallel_loop3A_432 = tpu.vector_load %arg7[%parallel_loop3A_431] {strides = array<i32>} : memref<8208xf32, #tpu.memory_space<vmem>>, vector<16xf32>,
        tpu.vector_store %arg7[%parallel_loop3A_431], %broadcast_in_dim3A_5 {strides = array<i32>} : memref<8208xf32, #tpu.memory_space<vmem>>, vector<16xf32>,
        %parallel_loop3A_433 = arith.constant 16 : i32
        %parallel_loop3A_434 = arith.muli %parallel_loop3A_344, %parallel_loop3A_433 : i32
        %parallel_loop3A_435 = arith.constant 5643 : i32
        %parallel_loop3A_436 = arith.addi %parallel_loop3A_435, %parallel_loop3A_434 : i32
        %parallel_loop3A_437 = arith.index_cast %parallel_loop3A_436 : i32 to index
        %parallel_loop3A_438 = tpu.vector_load %arg7[%parallel_loop3A_437] {strides = array<i32>} : memref<8208xf32, #tpu.memory_space<vmem>>, vector<16xf32>,
        %parallel_loop3A_439 = arith.index_cast %parallel_loop3A_436 : i32 to index
        %parallel_loop3A_440 = tpu.vector_load %arg7[%parallel_loop3A_439] {strides = array<i32>} : memref<8208xf32, #tpu.memory_space<vmem>>, vector<16xf32>,
        tpu.vector_store %arg7[%parallel_loop3A_439], %broadcast_in_dim3A_5 {strides = array<i32>} : memref<8208xf32, #tpu.memory_space<vmem>>, vector<16xf32>,
        %parallel_loop3A_441 = arith.constant 16 : i32
        %parallel_loop3A_442 = arith.muli %parallel_loop3A_344, %parallel_loop3A_441 : i32
        %parallel_loop3A_443 = arith.constant 6156 : i32
        %parallel_loop3A_444 = arith.addi %parallel_loop3A_443, %parallel_loop3A_442 : i32
        %parallel_loop3A_445 = arith.index_cast %parallel_loop3A_444 : i32 to index
        %parallel_loop3A_446 = tpu.vector_load %arg7[%parallel_loop3A_445] {strides = array<i32>} : memref<8208xf32, #tpu.memory_space<vmem>>, vector<16xf32>,
        %parallel_loop3A_447 = arith.index_cast %parallel_loop3A_444 : i32 to index
        %parallel_loop3A_448 = tpu.vector_load %arg7[%parallel_loop3A_447] {strides = array<i32>} : memref<8208xf32, #tpu.memory_space<vmem>>, vector<16xf32>,
        tpu.vector_store %arg7[%parallel_loop3A_447], %broadcast_in_dim3A_5 {strides = array<i32>} : memref<8208xf32, #tpu.memory_space<vmem>>, vector<16xf32>,
        %parallel_loop3A_449 = arith.constant 16 : i32
        %parallel_loop3A_450 = arith.muli %parallel_loop3A_344, %parallel_loop3A_449 : i32
        %parallel_loop3A_451 = arith.constant 6669 : i32
        %parallel_loop3A_452 = arith.addi %parallel_loop3A_451, %parallel_loop3A_450 : i32
        %parallel_loop3A_453 = arith.index_cast %parallel_loop3A_452 : i32 to index
        %parallel_loop3A_454 = tpu.vector_load %arg7[%parallel_loop3A_453] {strides = array<i32>} : memref<8208xf32, #tpu.memory_space<vmem>>, vector<16xf32>,
        %parallel_loop3A_455 = arith.index_cast %parallel_loop3A_452 : i32 to index
        %parallel_loop3A_456 = tpu.vector_load %arg7[%parallel_loop3A_455] {strides = array<i32>} : memref<8208xf32, #tpu.memory_space<vmem>>, vector<16xf32>,
        tpu.vector_store %arg7[%parallel_loop3A_455], %broadcast_in_dim3A_5 {strides = array<i32>} : memref<8208xf32, #tpu.memory_space<vmem>>, vector<16xf32>,
        %parallel_loop3A_457 = arith.constant 16 : i32
        %parallel_loop3A_458 = arith.muli %parallel_loop3A_344, %parallel_loop3A_457 : i32
        %parallel_loop3A_459 = arith.constant 7182 : i32
        %parallel_loop3A_460 = arith.addi %parallel_loop3A_459, %parallel_loop3A_458 : i32
        %parallel_loop3A_461 = arith.index_cast %parallel_loop3A_460 : i32 to index
        %parallel_loop3A_462 = tpu.vector_load %arg7[%parallel_loop3A_461] {strides = array<i32>} : memref<8208xf32, #tpu.memory_space<vmem>>, vector<16xf32>,
        %parallel_loop3A_463 = arith.index_cast %parallel_loop3A_460 : i32 to index
        %parallel_loop3A_464 = tpu.vector_load %arg7[%parallel_loop3A_463] {strides = array<i32>} : memref<8208xf32, #tpu.memory_space<vmem>>, vector<16xf32>,
        tpu.vector_store %arg7[%parallel_loop3A_463], %broadcast_in_dim3A_5 {strides = array<i32>} : memref<8208xf32, #tpu.memory_space<vmem>>, vector<16xf32>,
        %parallel_loop3A_465 = arith.constant 16 : i32
        %parallel_loop3A_466 = arith.muli %parallel_loop3A_344, %parallel_loop3A_465 : i32
        %parallel_loop3A_467 = arith.constant 7695 : i32
        %parallel_loop3A_468 = arith.addi %parallel_loop3A_467, %parallel_loop3A_466 : i32
        %parallel_loop3A_469 = arith.index_cast %parallel_loop3A_468 : i32 to index
        %parallel_loop3A_470 = tpu.vector_load %arg7[%parallel_loop3A_469] {strides = array<i32>} : memref<8208xf32, #tpu.memory_space<vmem>>, vector<16xf32>,
        %parallel_loop3A_471 = arith.index_cast %parallel_loop3A_468 : i32 to index
        %parallel_loop3A_472 = tpu.vector_load %arg7[%parallel_loop3A_471] {strides = array<i32>} : memref<8208xf32, #tpu.memory_space<vmem>>, vector<16xf32>,
        tpu.vector_store %arg7[%parallel_loop3A_471], %broadcast_in_dim3A_5 {strides = array<i32>} : memref<8208xf32, #tpu.memory_space<vmem>>, vector<16xf32>,
        %parallel_loop3A_473 = arith.addf %parallel_loop3A_350, %parallel_loop3A_358 : vector<16xf32>
        %parallel_loop3A_474 = arith.addf %parallel_loop3A_366, %parallel_loop3A_374 : vector<16xf32>
        %parallel_loop3A_475 = arith.addf %parallel_loop3A_382, %parallel_loop3A_390 : vector<16xf32>
        %parallel_loop3A_476 = arith.addf %parallel_loop3A_398, %parallel_loop3A_406 : vector<16xf32>
        %parallel_loop3A_477 = arith.addf %parallel_loop3A_414, %parallel_loop3A_422 : vector<16xf32>
        %parallel_loop3A_478 = arith.addf %parallel_loop3A_430, %parallel_loop3A_438 : vector<16xf32>
        %parallel_loop3A_479 = arith.addf %parallel_loop3A_446, %parallel_loop3A_454 : vector<16xf32>
        %parallel_loop3A_480 = arith.addf %parallel_loop3A_462, %parallel_loop3A_470 : vector<16xf32>
        %parallel_loop3A_481 = arith.addf %parallel_loop3A_473, %parallel_loop3A_474 : vector<16xf32>
        %parallel_loop3A_482 = arith.addf %parallel_loop3A_475, %parallel_loop3A_476 : vector<16xf32>
        %parallel_loop3A_483 = arith.addf %parallel_loop3A_477, %parallel_loop3A_478 : vector<16xf32>
        %parallel_loop3A_484 = arith.addf %parallel_loop3A_479, %parallel_loop3A_480 : vector<16xf32>
        %parallel_loop3A_485 = arith.addf %parallel_loop3A_481, %parallel_loop3A_482 : vector<16xf32>
        %parallel_loop3A_486 = arith.addf %parallel_loop3A_483, %parallel_loop3A_484 : vector<16xf32>
        %parallel_loop3A_487 = arith.addf %parallel_loop3A_485, %parallel_loop3A_486 : vector<16xf32>
        %parallel_loop3A_488 = arith.constant 16 : i32
        %parallel_loop3A_489 = arith.muli %parallel_loop3A_344, %parallel_loop3A_488 : i32
        %parallel_loop3A_490 = arith.index_cast %parallel_loop3A_489 : i32 to index
        %parallel_loop3A_491 = tpu.vector_load %arg8[%parallel_loop3A_490] {strides = array<i32>} : memref<512xf32, #tpu.memory_space<vmem>>, vector<16xf32>,
        tpu.vector_store %arg8[%parallel_loop3A_490], %parallel_loop3A_487 {strides = array<i32>} : memref<512xf32, #tpu.memory_space<vmem>>, vector<16xf32>,
      } {sc.loop_unroll_factor = 2 : i64, sc.parallel_access}
      "tpu.region"() ({
        %run_scoped3A = tpu.sem_alloc : memref<!tpu.dma_semaphore, #tpu.memory_space<semaphore_mem>>
        %dma_start3A_344 = arith.constant 0 : i32
        %dma_start3A_345 = tpu.memref_slice %arg4[%add3A, %scan3A_189, %dma_start3A_344] : memref<32x21x512xf32, #tpu.memory_space<hbm>> -> memref<1x1x512xf32, #tpu.memory_space<hbm>>
        %dma_start3A_346 = tpu.memref_squeeze %dma_start3A_345 : memref<1x1x512xf32, #tpu.memory_space<hbm>> -> memref<512xf32, #tpu.memory_space<hbm>>
        %dma_start3A_347 = arith.constant 0 : i32
        %dma_start3A_348 = tpu.memref_slice %arg4[%add3A, %scan3A_189, %dma_start3A_347] : memref<32x21x512xf32, #tpu.memory_space<hbm>> -> memref<1x1x512xf32, #tpu.memory_space<hbm>>
        %dma_start3A_349 = tpu.memref_squeeze %dma_start3A_348 : memref<1x1x512xf32, #tpu.memory_space<hbm>> -> memref<512xf32, #tpu.memory_space<hbm>>
        tpu.enqueue_dma source(%arg8 : memref<512xf32, #tpu.memory_space<vmem>>) target(%dma_start3A_349 : memref<512xf32, #tpu.memory_space<hbm>>) target_semaphore(%run_scoped3A : memref<!tpu.dma_semaphore, #tpu.memory_space<semaphore_mem>>)
        %dma_wait3A_350 = arith.constant 0 : i32
        %dma_wait3A_351 = tpu.memref_slice %arg4[%add3A, %scan3A_189, %dma_wait3A_350] : memref<32x21x512xf32, #tpu.memory_space<hbm>> -> memref<1x1x512xf32, #tpu.memory_space<hbm>>
        %dma_wait3A_352 = tpu.memref_squeeze %dma_wait3A_351 : memref<1x1x512xf32, #tpu.memory_space<hbm>> -> memref<512xf32, #tpu.memory_space<hbm>>
        %dma_wait3A_353 = arith.constant 0 : i32
        %dma_wait3A_354 = tpu.memref_slice %arg4[%add3A, %scan3A_189, %dma_wait3A_353] : memref<32x21x512xf32, #tpu.memory_space<hbm>> -> memref<1x1x512xf32, #tpu.memory_space<hbm>>
        %dma_wait3A_355 = tpu.memref_squeeze %dma_wait3A_354 : memref<1x1x512xf32, #tpu.memory_space<hbm>> -> memref<512xf32, #tpu.memory_space<hbm>>
        tpu.wait_dma2 semaphore(%run_scoped3A : memref<!tpu.dma_semaphore, #tpu.memory_space<semaphore_mem>>) src(%arg8 : memref<512xf32, #tpu.memory_space<vmem>>) dst(%dma_wait3A_355 : memref<512xf32, #tpu.memory_space<hbm>>)
        tpu.yield
      }) : () -> ()
      %scan3A_343 = arith.constant 0 : i32
      scf.yield %scan3A_343 : i32
    }
    %scan3A_172 = arith.constant 21 : i32
    %dma_wait3A_173 = arith.constant 20 : i32
    %dma_wait3A_174 = arith.constant 0 : i32
    %dma_wait3A_175 = arith.constant 0 : i32
    %dma_wait3A_176 = arith.constant 0 : i32
    %dma_wait3A_177 = tpu.memref_slice %arg6[%dma_wait3A_174, %dma_wait3A_175, %dma_wait3A_176] : memref<2x16x512xf32, #tpu.memory_space<vmem>> -> memref<1x16x512xf32, #tpu.memory_space<vmem>>
    %dma_wait3A_178 = tpu.memref_squeeze %dma_wait3A_177 : memref<1x16x512xf32, #tpu.memory_space<vmem>> -> memref<16x512xf32, #tpu.memory_space<vmem>>
    %dma_wait3A_179 = arith.constant 0 : i32
    %dma_wait3A_180 = tpu.memref_slice %arg2[%dma_wait3A_173, %mul3A_22, %dma_wait3A_179] : memref<84x512x512xf32, #tpu.memory_space<hbm>> -> memref<1x16x512xf32, #tpu.memory_space<hbm>>
    %dma_wait3A_181 = tpu.memref_squeeze %dma_wait3A_180 : memref<1x16x512xf32, #tpu.memory_space<hbm>> -> memref<16x512xf32, #tpu.memory_space<hbm>>
    %dma_wait3A_182 = arith.constant 0 : i32
    %dma_wait3A_183 = arith.constant 0 : i32
    %dma_wait3A_184 = tpu.memref_slice %arg6[%dma_wait3A_174, %dma_wait3A_182, %dma_wait3A_183] : memref<2x16x512xf32, #tpu.memory_space<vmem>> -> memref<1x16x512xf32, #tpu.memory_space<vmem>>
    %dma_wait3A_185 = tpu.memref_squeeze %dma_wait3A_184 : memref<1x16x512xf32, #tpu.memory_space<vmem>> -> memref<16x512xf32, #tpu.memory_space<vmem>>
    %dma_wait3A_186 = arith.constant 0 : i32
    %dma_wait3A_187 = tpu.memref_slice %arg2[%dma_wait3A_173, %mul3A_22, %dma_wait3A_186] : memref<84x512x512xf32, #tpu.memory_space<hbm>> -> memref<1x16x512xf32, #tpu.memory_space<hbm>>
    %dma_wait3A_188 = tpu.memref_squeeze %dma_wait3A_187 : memref<1x16x512xf32, #tpu.memory_space<hbm>> -> memref<16x512xf32, #tpu.memory_space<hbm>>
    tpu.wait_dma2 semaphore(%arg9 : memref<!tpu.dma_semaphore, #tpu.memory_space<semaphore_mem>>) src(%dma_wait3A_188 : memref<16x512xf32, #tpu.memory_space<hbm>>) dst(%dma_wait3A_185 : memref<16x512xf32, #tpu.memory_space<vmem>>)
    return
  }
}

module attributes {stable_mosaic.version = 14 : i64} {
  func.func @_tc_finish_body(%arg0: memref<32x21x512xf32, #tpu.memory_space<vmem>>, %arg1: memref<1x1xf32, #tpu.memory_space<vmem>>) attributes {dimension_semantics = [], scalar_prefetch = 0 : i64, scratch_operands = 0 : i64, tpu.core_type = #tpu.core_type<tc>} {
    %get3A = arith.constant 0 : index
    %get3A_0 = arith.constant 0 : index
    %get3A_1 = arith.constant 0 : index
    %get3A_2 = vector.load %arg0[%get3A, %get3A_0, %get3A_1] : memref<32x21x512xf32, #tpu.memory_space<vmem>>, vector<32x21x512xf32>
    %reduce_sum3A = arith.constant dense<0.000000e+00> : vector<21x512xf32>
    %reduce_sum3A_3 = vector.multi_reduction <add>, %get3A_2, %reduce_sum3A [0] : vector<32x21x512xf32> to vector<21x512xf32>
    %slice3A = vector.extract_strided_slice %reduce_sum3A_3 {offsets = [0, 0], sizes = [21, 256], strides = [1, 1]} : vector<21x512xf32> to vector<21x256xf32>
    %slice3A_4 = vector.extract_strided_slice %reduce_sum3A_3 {offsets = [0, 256], sizes = [21, 256], strides = [1, 1]} : vector<21x512xf32> to vector<21x256xf32>
    %add3A = arith.addf %slice3A, %slice3A_4 : vector<21x256xf32>
    %reduce_sum3A_5 = arith.constant dense<0.000000e+00> : vector<21xf32>
    %reduce_sum3A_6 = vector.multi_reduction <add>, %slice3A_4, %reduce_sum3A_5 [1] : vector<21x256xf32> to vector<21xf32>
    %broadcast_in_dim3A = vector.shape_cast %reduce_sum3A_6 : vector<21xf32> to vector<21x1xf32>
    %iota3A = tpu.iota {dimensions = array<i32: 0>} : vector<256x256xi32>
    %iota3A_7 = tpu.iota {dimensions = array<i32: 1>} : vector<256x256xi32>
    %le3A = arith.cmpi sle, %iota3A, %iota3A_7 : vector<256x256xi32>
    %convert_element_type3A = arith.extui %le3A : vector<256x256xi1> to vector<256x256xi32>
    %convert_element_type3A_8 = arith.sitofp %convert_element_type3A : vector<256x256xi32> to vector<256x256xf32>
    %dot_general3A = arith.constant dense<0.000000e+00> : vector<21x256xf32>
    %dot_general3A_9 = tpu.matmul %add3A, %convert_element_type3A_8, %dot_general3A {dimension_numbers = #tpu.dot_dimension_numbers<[1], [0], [0], [1], [0, 0, 1, 1], [], []>, transpose_lhs_hint = false} : vector<21x256xf32>, vector<256x256xf32>, vector<21x256xf32> -> vector<21x256xf32>
    %dot_general3A_10 = arith.constant dense<0.000000e+00> : vector<21x256xf32>
    %dot_general3A_11 = tpu.matmul %slice3A_4, %convert_element_type3A_8, %dot_general3A_10 {dimension_numbers = #tpu.dot_dimension_numbers<[1], [0], [0], [1], [0, 0, 1, 1], [], []>, transpose_lhs_hint = false} : vector<21x256xf32>, vector<256x256xf32>, vector<21x256xf32> -> vector<21x256xf32>
    %sub3A = arith.constant 0x49800000 : f32
    %sub3A_12 = vector.broadcast %sub3A : f32 to vector<21x256xf32>
    %sub3A_13 = arith.subf %sub3A_12, %dot_general3A_9 : vector<21x256xf32>
    %mul3A = arith.constant 5.000000e-01 : f32
    %mul3A_14 = vector.broadcast %mul3A : f32 to vector<21x256xf32>
    %mul3A_15 = arith.mulf %mul3A_14, %add3A : vector<21x256xf32>
    %add3A_16 = arith.addf %sub3A_13, %mul3A_15 : vector<21x256xf32>
    %sub3A_17 = vector.broadcast %broadcast_in_dim3A : vector<21x1xf32> to vector<21x256xf32>
    %sub3A_18 = arith.subf %sub3A_17, %dot_general3A_11 : vector<21x256xf32>
    %mul3A_19 = arith.constant 5.000000e-01 : f32
    %mul3A_20 = vector.broadcast %mul3A_19 : f32 to vector<21x256xf32>
    %mul3A_21 = arith.mulf %mul3A_20, %slice3A_4 : vector<21x256xf32>
    %add3A_22 = arith.addf %sub3A_18, %mul3A_21 : vector<21x256xf32>
    %sub3A_23 = vector.broadcast %broadcast_in_dim3A : vector<21x1xf32> to vector<21x256xf32>
    %sub3A_24 = arith.subf %sub3A_23, %add3A_22 : vector<21x256xf32>
    %add3A_25 = vector.broadcast %broadcast_in_dim3A : vector<21x1xf32> to vector<21x256xf32>
    %add3A_26 = arith.addf %add3A_25, %add3A_16 : vector<21x256xf32>
    %sub3A_27 = arith.subf %add3A_26, %add3A_22 : vector<21x256xf32>
    %gt3A = arith.constant 0.000000e+00 : f32
    %gt3A_28 = vector.broadcast %gt3A : f32 to vector<21x256xf32>
    %gt3A_29 = arith.cmpf ogt, %sub3A_27, %gt3A_28 : vector<21x256xf32>
    %gt3A_30 = arith.constant 0.000000e+00 : f32
    %gt3A_31 = vector.broadcast %gt3A_30 : f32 to vector<21x256xf32>
    %gt3A_32 = arith.cmpf ogt, %sub3A_27, %gt3A_31 : vector<21x256xf32>
    %jit3A = arith.constant 1.000000e+00 : f32
    %broadcast_in_dim3A_33 = vector.broadcast %jit3A : f32 to vector<21x256xf32>
    %select_n3A = arith.select %gt3A_32, %sub3A_27, %broadcast_in_dim3A_33 : vector<21x256xi1>, vector<21x256xf32>
    %div3A = arith.divf %sub3A_24, %select_n3A : vector<21x256xf32>
    %sub3A_34 = arith.constant 1.000000e+00 : f32
    %sub3A_35 = vector.broadcast %sub3A_34 : f32 to vector<21x256xf32>
    %sub3A_36 = arith.subf %sub3A_35, %div3A : vector<21x256xf32>
    %jit3A_37 = arith.constant 0.000000e+00 : f32
    %broadcast_in_dim3A_38 = vector.broadcast %jit3A_37 : f32 to vector<21x256xf32>
    %select_n3A_39 = arith.select %gt3A_29, %sub3A_36, %broadcast_in_dim3A_38 : vector<21x256xi1>, vector<21x256xf32>
    %iota3A_40 = tpu.iota {dimensions = array<i32: 1>} : vector<1x256xi32>
    %eq3A = arith.constant 0 : i32
    %eq3A_41 = vector.broadcast %eq3A : i32 to vector<1x256xi32>
    %eq3A_42 = arith.cmpi eq, %iota3A_40, %eq3A_41 : vector<1x256xi32>
    %eq3A_43 = arith.constant 255 : i32
    %eq3A_44 = vector.broadcast %eq3A_43 : i32 to vector<1x256xi32>
    %eq3A_45 = arith.cmpi eq, %iota3A_40, %eq3A_44 : vector<1x256xi32>
    %or3A = arith.ori %eq3A_42, %eq3A_45 : vector<1x256xi1>
    %jit3A_46 = arith.constant 0.00196078443 : f32
    %jit3A_47 = arith.constant 0.00392156886 : f32
    %broadcast_in_dim3A_48 = vector.broadcast %jit3A_46 : f32 to vector<1x256xf32>
    %broadcast_in_dim3A_49 = vector.broadcast %jit3A_47 : f32 to vector<1x256xf32>
    %select_n3A_50 = arith.select %or3A, %broadcast_in_dim3A_48, %broadcast_in_dim3A_49 : vector<1x256xi1>, vector<1x256xf32>
    %mul3A_51 = vector.broadcast %select_n3A_50 : vector<1x256xf32> to vector<21x256xf32>
    %mul3A_52 = arith.mulf %select_n3A_39, %mul3A_51 : vector<21x256xf32>
    %reduce_sum3A_53 = vector.shape_cast %mul3A_52 : vector<21x256xf32> to vector<1x21x256xf32>
    %reduce_sum3A_54 = arith.constant dense<0.000000e+00> : vector<1xf32>
    %reduce_sum3A_55 = vector.multi_reduction <add>, %reduce_sum3A_53, %reduce_sum3A_54 [1, 2] : vector<1x21x256xf32> to vector<1xf32>
    %reduce_sum3A_56 = vector.shape_cast %reduce_sum3A_55 : vector<1xf32> to vector<1x1x1xf32>
    %reduce_sum3A_57 = vector.extract %reduce_sum3A_56[0, 0, 0] : f32 from vector<1x1x1xf32>
    %div3A_58 = arith.constant 2.100000e+01 : f32
    %div3A_59 = arith.divf %reduce_sum3A_57, %div3A_58 : f32
    %reshape3A = vector.broadcast %div3A_59 : f32 to vector<1x1xf32>
    %swap3A = arith.constant 0 : index
    %swap3A_60 = arith.constant 0 : index
    %swap3A_61 = vector.load %arg1[%swap3A, %swap3A_60] : memref<1x1xf32, #tpu.memory_space<vmem>>, vector<1x1xf32>
    tpu.vector_store %arg1[%swap3A, %swap3A_60], %reshape3A {strides = array<i32>} : memref<1x1xf32, #tpu.memory_space<vmem>>, vector<1x1xf32>,
    return
  }
}

</mosaic_0001>

<sc_bundles>
// kernel: kernel.4.cloned.1.call-start
scs
__scs_entry_jumppad:
0x0: {  	(pc) =	sbr.rel $0x88, $3  }
0x1: {  	(tag) =	ssettag $0x0;
	lr =	simm.s32 $0x1  }
0x2: {  	[smem:$0x3F9F] =	sst lr;
	_ =	strace $0xD0000000  }
0x3: {  	_ = 	snop  }
0x4: {  	_ = 	snop  }
0x5: {  	_ = 	snop  }
0x6: {  	_ = 	snop  }
0x7: {  	_ = 	snop  }
__scs_overlays_trampoline_lowered:
0x8: {  	[smem:$0x3FAE] =	sst s0  }
0x9: {  	[smem:$0x3FAF] =	sst s1  }
0xa: {  	[smem:$0x3FB0] =	sst s2  }
0xb: {  	[smem:$0x3FB1] =	sst s3  }
0xc: {  	[smem:$0x3FB2] =	sst s4  }
0xd: {  	[smem:$0x3FB3] =	sst s5  }
0xe: {  	[smem:$0x3FB4] =	sst s6  }
0xf: {  	[smem:$0x3FB5] =	sst s7  }
0x10: {  	[smem:$0x3FB6] =	sst s8  }
0x11: {  	[smem:$0x3FB7] =	sst s9;
	s0 =	simm.s32 @!p0 $0x0  }
0x12: {  	s1 =	sld [smem:$0x3F9D];
	s0 =	simm.s32 @p0 $0x1  }
0x13: {  	[smem:$0x3FB8] =	sst s0;
	s0 =	simm.s32 @!p1 $0x0  }
0x14: {  	s2 =	sld [smem:$0x3F9C];
	s0 =	simm.s32 @p1 $0x1  }
0x15: {  	[smem:$0x3FB9] =	sst s0;
	s0 =	simm.s32 @!p2 $0x0  }
0x16: {  	s3 =	sld [smem:$0x3FDB];
	s0 =	simm.s32 @p2 $0x1  }
0x17: {  	s4 =	simm.s32 $0x1BF5;
	[smem:$0x3FBB] =	sst s0  }
0x18: {  	s0 =	sld [smem:$0x3F9E];
	_ =	swait.ge [sflag:s4], $0x0  }
0x19: {  	s7 =	sld [smem:$0x3F9F]  }
0x1a: {  	s8 =	sadd.s32 $0xFFFFE003, lr  }
0x1b: {  	s9 =	sadd.s32 $0xFFFFFEF7, lr;
	s5 =	simm.s32 $0xFFFFFFFF;
	p2 =	slt.u32 s8, $0xFFFFF086  }
0x1c: {  	p1 =	slt.u32 s9, $0xF7A;
	s5 =	simm.s32 @!p2 $0x0  }
0x1d: {  	s5 =	simm.s32 @p1 $0x1;
	p0 =	seq.s32 s7, s2  }
0x1e: {  	s7 =	smul.u32 @!p0 $0xF7A, s2;
	p2 =	seq.s32 @!p0 s5, $0x0  }
0x1f: {  	s9 =	smul.u32 $0xF7A, s1;
	s8 =	simm.s32 @!p0 $0x1BF5;
	p2 =	por !p2, p0  }
0x20: {  	[sflag:s8] =	ssyncset.s32 @!p0 $0xFFFFF086;
	s6 =	sadd.s32 @!p0 s3, s7;
	s7 =	simm.s32 @!p0 $0x108  }
0x21: {  	s3 =	sadd.s32 s3, s9;
	s6 =	sadd.s32 @!p0 $0x88, s6;
	s7 =	simm.s32 @p2 $0x1082  }
0x22: {  	[simem:s7], [sflag:s8] =	dma.local @!p0 [hbm:s6], $0xF7A  }
0x23: {  	s9 =	sor.u32 $0xD0000000, s2;
	s6 =	simm.s32 $0x108;
	_ =	swait.ge @!p0 [sflag:s8], $0x0  }
0x24: {  	s3 =	sadd.s32 $0x88, s3;
	s6 =	simm.s32 @!p1 $0x1082;
	[sflag:s4] =	ssyncset.s32 $0xFFFFF086  }
0x25: {  	[simem:s6], [sflag:s4] =	dma.local [hbm:s3], $0xF7A  }
0x26: {  	[smem:$0x3F9F] =	sst s1;
	(tag) =	ssettag s2;
	_ =	strace s9  }
0x27: {  	s1 =	sld [smem:$0x3FAF]  }
0x28: {  	s2 =	sld [smem:$0x3FB0]  }
0x29: {  	s4 =	sld [smem:$0x3FB2]  }
0x2a: {  	p0 =	seq.s32 s5, $0x0;
	s5 =	sld [smem:$0x3FB3]  }
0x2b: {  	s6 =	sld [smem:$0x3FB4]  }
0x2c: {  	s7 =	sld [smem:$0x3FB5]  }
0x2d: {  	s3 =	simm.s32 $0x108;
	s8 =	sld [smem:$0x3FB6]  }
0x2e: {  	s3 =	simm.s32 @!p0 $0x1082;
	s9 =	sld [smem:$0x3FB7]  }
0x2f: {  	lr =	sadd.s32 s0, s3;
	s0 =	sld [smem:$0x3FAE]  }
0x30: {  	s3 =	sld [smem:$0x3FB1]  }
0x31: {  	[smem:$0x3FBA] =	sst s10  }
0x32: {  	s10 =	sld [smem:$0x3FB8];
	_ =	sdelay $0x3  }
0x33: {  	p0 =	seq.s32 s10, $0x1;
	s10 =	sld [smem:$0x3FBA];
	_ =	sdelay $0x3  }
0x34: {  	[smem:$0x3FBA] =	sst s10  }
0x35: {  	s10 =	sld [smem:$0x3FB9];
	_ =	sdelay $0x3  }
0x36: {  	p1 =	seq.s32 s10, $0x1;
	s10 =	sld [smem:$0x3FBA];
	_ =	sdelay $0x3  }
0x37: {  	[smem:$0x3FBA] =	sst s10  }
0x38: {  	s10 =	sld [smem:$0x3FBB]  }
0x39: {  	_ = 	snop;
	(pc) =	sbr.ind lr, $3  }
0x3a: {  	_ = 	snop  }
0x3b: {  	_ = 	snop  }
0x3c: {  	p2 =	seq.s32 s10, $0x1;
	s10 =	sld [smem:$0x3FBA]  }
0x3d: {  	_ =	shalt  }
0x3e: {  	_ =	shalt  }
0x3f: {  	_ =	shalt  }
0x40: {  	_ =	shalt  }
0x41: {  	_ =	shalt  }
0x42: {  	_ =	shalt  }
0x43: {  	_ =	shalt  }
0x44: {  	_ =	shalt  }
0x45: {  	_ =	shalt  }
0x46: {  	_ =	shalt  }
0x47: {  	_ =	shalt  }
0x48: {  	_ =	shalt  }
0x49: {  	_ =	shalt  }
0x4a: {  	_ =	shalt  }
0x4b: {  	_ =	shalt  }
0x4c: {  	_ =	shalt  }
0x4d: {  	_ =	shalt  }
0x4e: {  	_ =	shalt  }
0x4f: {  	_ =	shalt  }
0x50: {  	_ =	shalt  }
0x51: {  	_ =	shalt  }
0x52: {  	_ =	shalt  }
0x53: {  	_ =	shalt  }
0x54: {  	_ =	shalt  }
0x55: {  	_ =	shalt  }
0x56: {  	_ =	shalt  }
0x57: {  	_ =	shalt  }
0x58: {  	_ =	shalt  }
0x59: {  	_ =	shalt  }
0x5a: {  	_ =	shalt  }
0x5b: {  	_ =	shalt  }
0x5c: {  	_ =	shalt  }
0x5d: {  	_ =	shalt  }
0x5e: {  	_ =	shalt  }
0x5f: {  	_ =	shalt  }
0x60: {  	_ =	shalt  }
0x61: {  	_ =	shalt  }
0x62: {  	_ =	shalt  }
0x63: {  	_ =	shalt  }
0x64: {  	_ =	shalt  }
0x65: {  	_ =	shalt  }
0x66: {  	_ =	shalt  }
0x67: {  	_ =	shalt  }
0x68: {  	_ =	shalt  }
0x69: {  	_ =	shalt  }
0x6a: {  	_ =	shalt  }
0x6b: {  	_ =	shalt  }
0x6c: {  	_ =	shalt  }
0x6d: {  	_ =	shalt  }
0x6e: {  	_ =	shalt  }
0x6f: {  	_ =	shalt  }
0x70: {  	_ =	shalt  }
0x71: {  	_ =	shalt  }
0x72: {  	_ =	shalt  }
0x73: {  	_ =	shalt  }
0x74: {  	_ =	shalt  }
0x75: {  	_ =	shalt  }
0x76: {  	_ =	shalt  }
0x77: {  	_ =	shalt  }
0x78: {  	_ =	shalt  }
0x79: {  	_ =	shalt  }
0x7a: {  	_ =	shalt  }
0x7b: {  	_ =	shalt  }
0x7c: {  	_ =	shalt  }
0x7d: {  	_ =	shalt  }
0x7e: {  	_ =	shalt  }
0x7f: {  	_ =	shalt  }
0x80: {  	_ =	shalt  }
0x81: {  	_ =	shalt  }
0x82: {  	_ =	shalt  }
0x83: {  	_ =	shalt  }
0x84: {  	_ =	shalt  }
0x85: {  	_ =	shalt  }
0x86: {  	_ =	shalt  }
0x87: {  	_ =	shalt  }
.Lfunc_end0:
.L_simem_size_0:
called_computation_lowered:
.L_overlay_start_0:
0x88: {  	s2 =	sld [smem:$0x3FD9]  }
0x89: {  	s3 =	sld [smem:$0x3FFE];
	_ =	sdelay $0x1  }
0x8a: {  	s1 =	srdreg.scid  }
0x8b: {  	s0 =	sand.u32 $0x1, s1  }
0x8c: {  	s17 =	sshll.u32 s0, $0xA;
	s2 =	sadd.s32 s3, s2  }
0x8d: {  	s2 =	sadd.s32 s2, s17  }
0x8e: {  	[smem:$0x3FC6] =	sst s2  }
0x8f: {  	_ = 	snop  }
0x90: {  	s2 =	sld [smem:$0x3FC9]  }
0x91: {  	s18 =	sld [smem:$0x3FC8];
	(tm) =	ssettm $0x1  }
0x92: {  	s4 =	sld [smem:$0x3FFB];
	_ =	sdelay $0x3  }
0x93: {  	_ =	strace s4  }
0x94: {  	s4 =	sld [smem:$0x3FFC];
	_ =	sdelay $0x3  }
0x95: {  	_ =	strace s4  }
0x96: {  	s4 =	sld [smem:$0x3FFD];
	_ =	sdelay $0x3  }
0x97: {  	_ =	strace s4  }
0x98: {  	_ =	strace $0x8FFFFFFF  }
0x99: {  	s19 =	sld [smem:$0x3FDB];
	_ =	sdelay $0x1  }
0x9a: {  	s5 =	simm.s32 $_scs_section_size  }
0x9b: {  	s6 =	simm.s32 $_size__tile_overlayer_lowered;
	s7 =	simm.s32 $_tile_overlayer_lowered  }
0x9c: {  	s22 =	simm.s32 $0x1BFF;
	s21 =	sshll.u32 s7, $0x1;
	s4 =	sadd.s32 s5, s19  }
0x9d: {  	s8 =	simm.s32 $0x0;
	s20 =	sshll.u32 s6, $0x1;
	s6 =	sadd.s32 s21, s4  }
0x9e: {  	[timem:s8], [sflag:s22] =	dma.local [hbm:s6], s20  }
0x9f: {  	_ =	swait.ge [sflag:s22], s20  }
0xa0: {  	s5 =	ssub.s32 $0x0, s20;
	[sflag:s22] =	ssyncset.done $0x0  }
0xa1: {  	[sflag:s22] =	ssyncadd.s32 s5;
	_ =	sdelay $0x1  }
0xa2: {  	s23 =	simm.s32 $0x1B8B  }
0xa3: {  	_ =	swait.ge [sflag:s23], $0x1  }
0xa4: {  	[sflag:s23] =	ssyncset.done $0x0  }
0xa5: {  	s25 =	simm.s32 $0x1B8E;
	s24 =	sld [smem:$0x3FFE];
	[sflag:s23] =	ssyncadd.s32 $0xFFFFFFFF  }
0xa6: {  	s26 =	simm.s32 $execute0_lowered;
	[smem:$0x3FD2] =	sst s25  }
0xa7: {  	s6 =	sshll.u32 s26, $0x1;
	_ =	strace $0x80000046;
	[dreg:$0x1] =	wrdreg $0xFFFFFFFF  }
0xa8: {  	s28 =	simm.s32 $_size_execute0_lowered;
	s4 =	sadd.s32 s4, s6;
	[dreg:$0x0] =	wrdreg $0x0  }
0xa9: {  	s6 =	sshll.u32 s28, $0x1;
	[dreg:$0x2] =	wrdreg s4  }
0xaa: {  	[dreg:$0x3] =	wrdreg s6  }
0xab: {  	[dreg:$0x4] =	wrdreg $0xC0  }
0xac: {  	_ =	task [dreg:s8], $0x5FFFF  }
0xad: {  	[dreg:$0x1] =	wrdreg $0xFFFFFFFF  }
0xae: {  	[dreg:$0x0] =	wrdreg $0x60  }
0xaf: {  	[dreg:$0x2] =	wrdreg s2  }
0xb0: {  	[dreg:$0x3] =	wrdreg s18  }
0xb1: {  	[dreg:$0x4] =	wrdreg s24  }
0xb2: {  	[dreg:$0x5] =	wrdreg $0x9  }
0xb3: {  	_ =	task.clear_ibuf [dreg:s8], $0x6FFFF;
	_ =	strace $0x90000046  }
0xb4: {  	s29 =	simm.s32 $0x9;
	_ =	strace $0x80000048  }
0xb5: {  	_ =	swait.ge [sflag:s29], $0x1  }
0xb6: {  	[sflag:s29] =	ssyncadd.s32 $0xFFFFFFFF  }
0xb7: {  	_ =	strace $0x90000048  }
0xb8: {  	_ =	sfence  }
0xb9: {  	s30 =	sld [smem:$0x0];
	_ =	sdelay $0x2  }
0xba: {  	s31 =	sshll.u32 s1, $0xD;
	s1 =	sshrl.u32 s1, $0x2  }
0xbb: {  	s3 =	sand.u32 $0x4000, s31;
	s1 =	sadd.s32 s1, s30  }
0xbc: {  	s0 =	sor.u32 s3, s0;
	s1 =	sshll.u32 s1, $0x11  }
0xbd: {  	s0 =	sor.u32 s1, s0  }
0xbe: {  	s0 =	sadd.s32 $0x8F2B, s0  }
0xbf: {  	[sflag:s0] =	ssyncadd.remote.s32 $0x1  }
0xc0: {  	_ =	sfence.sel $0xFFFF  }
0xc1: {  	[dreg:$0x0] =	wrdreg $0xFFFFFFFF;
	(pc) =	sbr.abs _section_cstart, $3  }
0xc2: {  	[dreg:$0x1] =	wrdreg $0xFFFFFFFF  }
0xc3: {  	_ =	task.clear_ibuf [dreg:s8], $0x2FFFF;
	_ =	strace $0x9FFFFFFF  }
0xc4: {  	(tm) =	ssettm $0x7FFFFFFF  }
0xc5: {  	_ =	shalt  }
tec
execute0_lowered:
.L_overlay_start_1:
0x0: {  	(tag) =	ssettag $0x1  }
0x1: {  	v0 =	vimm.f32 $8.396303000e+06;
	vm0 =	vcmask $0x300  }
0x2: {  	vm1 =	vcmask $0x704;
	v1 =	vimm.f32 $8.396814000e+06;
	vm2 =	vcmask $0xB08  }
0x3: {  	vm4 =	vcmask $0xF0C;
	vm5 =	vcmask $0x1310;
	vm6 =	vcmask $0x1714  }
0x4: {  	vm7 =	vcmask $0x1B18;
	vm8 =	vcmask $0x1F1C;
	v0 =	vsel vm0, $0x4B000000, v0  }
0x5: {  	s1 =	rddreg [dreg:$0x0];
	vm9 =	vcmask $0x2320;
	v1 =	vsel vm0, $0x4B0001FF, v1;
	v0 =	vsel vm1, $0x4B000201, v0  }
0x6: {  	s0 =	rddreg [dreg:$0x1];
	vm10 =	vcmask $0x2724;
	v1 =	vsel vm1, $0x4B000400, v1;
	v0 =	vsel vm2, $0x4B000402, v0  }
0x7: {  	s2 =	rddreg [dreg:$0x2];
	s3 =	simm.s32 $0x0;
	s4 =	srdreg.scid;
	vm11 =	vcmask $0x2B28;
	v1 =	vsel vm2, $0x4B000601, v1;
	v0 =	vsel vm4, $0x4B000603, v0  }
0x8: {  	s5 =	stileid.u32;
	s14 =	simm.s32 $0x8000;
	vm12 =	vcmask $0x2F2C;
	s20 =	simm.s32 $0x2;
	v1 =	vsel vm4, $0x4B000802, v1;
	v0 =	vsel vm5, $0x4B000804, v0  }
0x9: {  	vm13 =	vcmask $0x3330;
	s21 =	simm.s32 $0xA000;
	s22 =	simm.s32 $0x1;
	s28 =	simm.s32 $0x3;
	v1 =	vsel vm5, $0x4B000A03, v1;
	v0 =	vsel vm6, $0x4B000A05, v0  }
0xa: {  	vm14 =	vcmask $0x3734;
	[smem:$0x7FF] =	sst s3;
	s7 =	sand.u32 $0x1, s4;
	s5 =	sshll.u32 s5, $0x1;
	v1 =	vsel vm6, $0x4B000C04, v1;
	v0 =	vsel vm7, $0x4B000C06, v0  }
0xb: {  	s29 =	simm.s32 $0x0;
	_ =	strace $0x80000047;
	s23 =	sor.u32 s7, s5;
	v1 =	vsel vm7, $0x4B000E05, v1;
	v0 =	vsel vm8, $0x4B000E07, v0  }
0xc: {  	s30 =	simm.s32 $0x0;
	s4 =	sadd.s32 $0x600, s2;
	s15 =	sshll.u32 s23, $0xA;
	v1 =	vsel vm8, $0x4B001006, v1;
	v0 =	vsel vm9, $0x4B001008, v0  }
0xd: {  	s25 =	ssub.s32 $0x2, s7;
	s5 =	sshll.u32 s23, $0xD;
	s12 =	smul.u32 $0x3000, s23;
	v1 =	vsel vm9, $0x4B001207, v1;
	v0 =	vsel vm10, $0x4B001209, v0  }
0xe: {  	s23 =	simm.s32 $0xC000;
	s6 =	sadd.s32 s0, s15;
	s9 =	sor.u32 $0x540000, s5;
	v1 =	vsel vm10, $0x4B001408, v1;
	v0 =	vsel vm11, $0x4B00140A, v0  }
0xf: {  	s31 =	sshrl.u32 s25, $0x1;
	s10 =	sor.u32 $0xA80000, s5;
	s0 =	sadd.s32 $0x10000, s6;
	v1 =	vsel vm11, $0x4B001609, v1;
	v0 =	vsel vm12, $0x4B00160B, v0  }
0x10: {  	s11 =	sor.u32 $0xFC0000, s5;
	s24 =	sadd.s32 $0x18000, s6;
	[dreg:$0x4] =	wrdreg s0;
	v1 =	vsel vm12, $0x4B00180A, v1;
	v0 =	vsel vm13, $0x4B00180C, v0  }
0x11: {  	vm15 =	vcmask $0x3B38;
	s17 =	sadd.s32 s1, s15;
	s26 =	sadd.s32 $0x8000, s6;
	[dreg:$0x5] =	wrdreg s24;
	v3 =	vsel vm13, $0x4B001A0B, v1;
	v2 =	vsel vm14, $0x4B001A0D, v0  }
0x12: {  	v4 =	vimm.f32 $1.000000000e+00;
	[dreg:$0x6] =	wrdreg s26;
	s0 =	ssub.s32 s25, s31;
	s24 =	simm.s32 $0x80;
	v1 =	vsel vm15, $0x4B001C0E, v2;
	v2 =	vsel vm14, $0x4B001C0C, v3  }
0x13: {  	s25 =	simm.s32 $0x400;
	s26 =	simm.s32 $0xE080;
	s18 =	smax.u32 s0, $0x1;
	v0 =	vimm.f32 $0.0e+00;
	v3 =	vimm.f32 $2.550000000e+02;
	v2 =	vsel vm15, $0x4B001E0D, v2  }
.LBB2_1:
0x14: {  	[tilespmem:s14], [sflag:$0x1] =	stream.linear.gather [hbm4b:s17+s3], $0x2000, $0x38;
	[tilespmem:$0xE280] =	vst v63  }
0x15: {  	_ = 	snop  }
0x16: {  	[tilespmem:s3], [sflag:$0x2] =	stream.linear.gather [hbm4b:s6+s3], $0x2000, $0x38;
	[tilespmem:$0xE280] =	vst v63  }
0x17: {  	s0 =	rddreg [dreg:$0x6];
	s2 =	simm.s32 $0x2000  }
0x18: {  	[tilespmem:s2], [sflag:$0x2] =	stream.linear.gather [hbm4b:s0+s3], $0x2000, $0x38;
	[tilespmem:$0xE280] =	vst v63  }
0x19: {  	s15 =	rddreg [dreg:$0x4];
	s16 =	simm.s32 $0x4000  }
0x1a: {  	[tilespmem:s16], [sflag:$0x2] =	stream.linear.gather [hbm4b:s15+s3], $0x2000, $0x38;
	[tilespmem:$0xE280] =	vst v63  }
0x1b: {  	s19 =	rddreg [dreg:$0x5];
	s31 =	simm.s32 $0x6000  }
0x1c: {  	[tilespmem:s31], [sflag:$0x2] =	stream.linear.gather [hbm4b:s19+s3], $0x2000, $0x38;
	[tilespmem:$0xE280] =	vst v63  }
0x1d: {  	_ =	swait.ge [sflag:s20], $0x2000  }
0x1e: {  	[sflag:s20] =	ssyncset.done $0x0  }
0x1f: {  	[sflag:s20] =	ssyncadd.s32 $0xFFFFE000  }
0x20: {  	_ =	swait.ge [sflag:s20], $0x2000  }
0x21: {  	[sflag:s20] =	ssyncset.done $0x0  }
0x22: {  	[sflag:s20] =	ssyncadd.s32 $0xFFFFE000  }
0x23: {  	_ =	swait.ge [sflag:s20], $0x2000  }
0x24: {  	[sflag:s20] =	ssyncset.done $0x0  }
0x25: {  	[sflag:s20] =	ssyncadd.s32 $0xFFFFE000  }
0x26: {  	_ =	swait.ge [sflag:s20], $0x2000  }
0x27: {  	[sflag:s20] =	ssyncset.done $0x0  }
0x28: {  	s0 =	simm.s32 $0xC020;
	[sflag:s20] =	ssyncadd.s32 $0xFFFFE000  }
0x29: {  	[tilespmem:s0+$0xFFFFFFE0] =	vst v0  }
0x2a: {  	[tilespmem:s0+$0x10] =	vst v0  }
0x2b: {  	s2 =	simm.s32 $0x0;
	[tilespmem:s0+$0x0] =	vst v0  }
.LBB2_2:
0x2c: {  	s2 =	sadd.s32 $0x4, s2  }
0x2d: {  	[tilespmem:s0+$0xFFFFFFF0] =	vst v0;
	s0 =	sadd.s32 $0x40, s0;
	p0 =	slt.u32 s2, $0x1FC  }
.Ltmp0:
0x2e: {  	[tilespmem:s0+$0xFFFFFFE0] =	vst v0;
	(pc) =	sbr.rel @p0 .LBB2_2-.Ltmp0, $3  }
0x2f: {  	_ =	sdelay $0x1  }
0x30: {  	[tilespmem:s0+$0x10] =	vst v0  }
0x31: {  	[tilespmem:s0+$0x0] =	vst v0  }
0x32: {  	[tilespmem:s0+$0xFFFFFFF0] =	vst v0  }
0x33: {  	s31 =	simm.s32 $0x0;
	[tilespmem:$0xE000] =	vst v0  }
.LBB2_4:
0x34: {  	s0 =	sshll.u32 s31, $0x12  }
0x35: {  	s2 =	sadd.s32 s9, s0  }
0x36: {  	s2 =	sshrl.u32 s2, $0x3  }
0x37: {  	s15 =	simm.s32 $0x0;
	s7 =	sand.u32 $0xC00, s30;
	s2 =	sadd.s32 s1, s2  }
0x38: {  	[tilespmem:s21], [sflag:$0x2] =	stream.linear.gather [hbm4b:s2+s30], $0x2000, $0x38;
	[tilespmem:$0xE280] =	vst v63  }
0x39: {  	s2 =	sand.u32 $0x1000, s15;
	s15 =	simm.s32 $0x0;
	_ =	swait.ge [sflag:s22], $0x2000  }
0x3a: {  	s2 =	sor.u32 s7, s2;
	s16 =	sand.u32 $0x380, s15;
	[sflag:s22] =	ssyncset.done $0x0  }
0x3b: {  	s7 =	sor.u32 s16, s2;
	[sflag:s22] =	ssyncadd.s32 $0xFFFFE000  }
0x3c: {  	v6 =	vld [tilespmem:s7+$0x70]  }
0x3d: {  	v7 =	vld [tilespmem:s7+$0x0]  }
0x3e: {  	v8 =	vld [tilespmem:s7+$0x8070]  }
0x3f: {  	v9 =	vld [tilespmem:s7+$0x8000]  }
0x40: {  	v10 =	vld [tilespmem:s7+$0x10]  }
0x41: {  	v11 =	vld [tilespmem:s7+$0x20]  }
0x42: {  	v12 =	vld [tilespmem:s7+$0x40]  }
0x43: {  	v15 =	vld [tilespmem:s7+$0x60]  }
0x44: {  	v5 =	vmov s31;
	v20 =	vld [tilespmem:s7+$0x8060]  }
0x45: {  	vm0 =	veq.s32 v6, v5;
	v6 =	vld [tilespmem:s7+$0x30]  }
0x46: {  	vm1 =	veq.s32 v7, v5;
	vm15 =	veq.s32 v10, v5;
	v10 =	vld [tilespmem:s7+$0x8030];
	v7 =	vsel vm0, $0xC37F0000, v3  }
0x47: {  	vm4 =	veq.s32 v11, v5;
	v11 =	vld [tilespmem:s7+$0x8040];
	v13 =	vsel vm1, $0xC37F0000, v3;
	v7 =	vmul.f32 v7, v8  }
0x48: {  	v14 =	vsel vm0, v2, v1;
	v8 =	vld [tilespmem:s7+$0x50];
	v9 =	vmul.f32 v13, v9  }
0x49: {  	s19 =	simm.s32 $0x80;
	s2 =	simm.s32 $0x400;
	v13 =	vsel vm1, v2, v1;
	v7 =	vadd.f32 v7, v14;
	v14 =	vld [tilespmem:s7+$0x8010]  }
0x4a: {  	s8 =	sand.u32 $0x1000, s19;
	s16 =	simm.s32 $0x20;
	s13 =	sand.u32 $0xC00, s2;
	v9 =	vadd.f32 v9, v13;
	v13 =	vld [tilespmem:s7+$0x8020]  }
0x4b: {  	s19 =	sand.u32 $0x380, s16;
	vm2 =	veq.s32 v12, v5;
	vm5 =	veq.s32 v6, v5;
	v6 =	vld [tilespmem:s7+$0x8050];
	s7 =	sor.u32 s13, s8  }
0x4c: {  	v21 =	vsel vm2, $0xC37F0000, v3;
	v7 =	vadd.s32 $0xB5000000, v7;
	s15 =	sor.u32 s19, s7  }
0x4d: {  	v11 =	vmul.f32 v21, v11;
	v9 =	vadd.s32 $0xB5000000, v9;
	v19 =	vsel vm5, $0xC37F0000, v3;
	v21 =	vld [tilespmem:s15+$0x8010]  }
0x4e: {  	v16 =	vsel vm15, $0xC37F0000, v3;
	v10 =	vmul.f32 v19, v10;
	v25 =	vld [tilespmem:s15+$0x8020]  }
0x4f: {  	vm6 =	veq.s32 v8, v5;
	v8 =	vsel vm5, v2, v1;
	v14 =	vmul.f32 v16, v14;
	v16 =	vld [tilespmem:s15+$0x70]  }
0x50: {  	vm7 =	veq.s32 v15, v5;
	v17 =	vsel vm15, v2, v1;
	v8 =	vadd.f32 v10, v8;
	v10 =	vld [tilespmem:s15+$0x10]  }
0x51: {  	v18 =	vsel vm4, $0xC37F0000, v3;
	v12 =	vsel vm4, v2, v1;
	v19 =	vsel vm7, v2, v1;
	[tilespmem:v7+s23+$0x0] =	vst.idx.add.f32.msk $0xffff, v4  }
0x52: {  	v15 =	vsel vm7, $0xC37F0000, v3;
	v13 =	vmul.f32 v18, v13;
	v18 =	vsel vm6, v2, v1;
	[tilespmem:v9+s23+$0x0] =	vst.idx.add.f32.msk $0xffff, v4  }
0x53: {  	v7 =	vsel vm6, $0xC37F0000, v3;
	v9 =	vsel vm2, v2, v1;
	v14 =	vadd.f32 v14, v17;
	v17 =	vld [tilespmem:s15+$0x0]  }
0x54: {  	v12 =	vadd.f32 v13, v12;
	v13 =	vld [tilespmem:s15+$0x8070];
	v6 =	vmul.f32 v7, v6;
	v7 =	vadd.f32 v11, v9  }
0x55: {  	v11 =	vmul.f32 v15, v20;
	v9 =	vadd.s32 $0xB5000000, v8;
	v15 =	vld [tilespmem:s15+$0x30];
	v14 =	vadd.s32 $0xB5000000, v14  }
0x56: {  	v23 =	vadd.s32 $0xB5000000, v12;
	v12 =	vld [tilespmem:s15+$0x20];
	v6 =	vadd.f32 v6, v18;
	vm8 =	veq.s32 v16, v5  }
0x57: {  	v7 =	vadd.s32 $0xB5000000, v7;
	v11 =	vadd.f32 v11, v19;
	v16 =	vld [tilespmem:s15+$0x40];
	vm10 =	veq.s32 v10, v5  }
0x58: {  	v10 =	vld [tilespmem:s15+$0x8000];
	v18 =	vsel vm8, $0xC37F0000, v3;
	v22 =	vsel vm10, v2, v1;
	v8 =	vadd.s32 $0xB5000000, v6  }
0x59: {  	v29 =	vld [tilespmem:s15+$0x8030];
	vm9 =	veq.s32 v17, v5;
	v13 =	vmul.f32 v18, v13;
	v6 =	vadd.s32 $0xB5000000, v11  }
0x5a: {  	v17 =	vld [tilespmem:s15+$0x50];
	v18 =	vsel vm8, v2, v1;
	v19 =	vsel vm9, v2, v1;
	v20 =	vsel vm9, $0xC37F0000, v3  }
0x5b: {  	v11 =	vld [tilespmem:s15+$0x60];
	vm12 =	veq.s32 v15, v5;
	v13 =	vadd.f32 v13, v18;
	vm11 =	veq.s32 v12, v5  }
0x5c: {  	v31 =	vld [tilespmem:s15+$0x8040];
	v18 =	vsel vm10, $0xC37F0000, v3;
	v27 =	vsel vm12, $0xC37F0000, v3;
	v24 =	vsel vm11, $0xC37F0000, v3  }
0x5d: {  	vm13 =	veq.s32 v16, v5;
	v28 =	vsel vm11, v2, v1;
	v16 =	vmul.f32 v20, v10  }
0x5e: {  	[tilespmem:v14+s23+$0x0] =	vst.idx.add.f32.msk $0xffff, v4;
	v20 =	vmul.f32 v18, v21;
	v26 =	vadd.s32 $0xB5000000, v13;
	v30 =	vsel vm13, $0xC37F0000, v3  }
0x5f: {  	v13 =	vsel vm12, v2, v1;
	v12 =	vsel vm13, v2, v1;
	vm14 =	veq.s32 v17, v5;
	v17 =	vld [tilespmem:s15+$0x8050]  }
0x60: {  	v15 =	vld [tilespmem:s15+$0x8060];
	v24 =	vmul.f32 v24, v25;
	vm15 =	veq.s32 v11, v5;
	v19 =	vadd.f32 v16, v19  }
0x61: {  	v21 =	vadd.f32 v20, v22;
	v22 =	vmul.f32 v27, v29;
	v20 =	vmul.f32 v30, v31  }
0x62: {  	[tilespmem:v23+s23+$0x0] =	vst.idx.add.f32.msk $0xffff, v4;
	v11 =	vsel vm14, v2, v1;
	v10 =	vsel vm15, v2, v1;
	v18 =	vsel vm14, $0xC37F0000, v3  }
0x63: {  	s15 =	simm.s32 $0x8;
	v16 =	vsel vm15, $0xC37F0000, v3;
	v14 =	vadd.s32 $0xB5000000, v19;
	v19 =	vadd.f32 v24, v28;
	[tilespmem:v26+s23+$0x0] =	vst.idx.add.f32.msk $0xffff, v4  }
.LBB2_5:
0x64: {  	s15 =	sadd.s32 $0x8, s15;
	v23 =	vadd.s32 $0xB5000000, v21;
	v13 =	vadd.f32 v22, v13;
	v17 =	vmul.f32 v18, v17;
	[tilespmem:v9+s23+$0x0] =	vst.idx.add.f32.msk $0xffff, v4  }
0x65: {  	s2 =	sadd.s32 $0x400, s2;
	s7 =	sshll.u32 s15, $0x4;
	p0 =	slt.u32 s15, $0x1F8;
	v24 =	vadd.s32 $0xB5000000, v19;
	v12 =	vadd.f32 v20, v12;
	v15 =	vmul.f32 v16, v15;
	[tilespmem:v7+s23+$0x0] =	vst.idx.add.f32.msk $0xffff, v4  }
0x66: {  	s16 =	sand.u32 $0xC00, s2;
	s19 =	sshll.u32 s15, $0x2;
	s7 =	sand.u32 $0x1000, s7;
	v9 =	vadd.s32 $0xB5000000, v13;
	v11 =	vadd.f32 v17, v11;
	[tilespmem:v8+s23+$0x0] =	vst.idx.add.f32.msk $0xffff, v4  }
0x67: {  	s7 =	sor.u32 s16, s7;
	s16 =	sand.u32 $0x380, s19;
	v7 =	vadd.s32 $0xB5000000, v12;
	v10 =	vadd.f32 v15, v10;
	[tilespmem:v6+s23+$0x0] =	vst.idx.add.f32.msk $0xffff, v4  }
0x68: {  	s16 =	sor.u32 s16, s7;
	[tilespmem:v14+s23+$0x0] =	vst.idx.add.f32.msk $0xffff, v4;
	v8 =	vadd.s32 $0xB5000000, v11  }
0x69: {  	v11 =	vld [tilespmem:s16+$0x70];
	v6 =	vadd.s32 $0xB5000000, v10  }
0x6a: {  	v10 =	vld [tilespmem:s16+$0x0]  }
0x6b: {  	v12 =	vld [tilespmem:s16+$0x8070]  }
0x6c: {  	v13 =	vld [tilespmem:s16+$0x10]  }
0x6d: {  	v14 =	vld [tilespmem:s16+$0x20]  }
0x6e: {  	v15 =	vld [tilespmem:s16+$0x30];
	vm0 =	veq.s32 v11, v5  }
0x6f: {  	vm1 =	veq.s32 v10, v5;
	v10 =	vld [tilespmem:s16+$0x40];
	v11 =	vsel vm0, $0xC37F0000, v3  }
0x70: {  	v19 =	vsel vm1, v2, v1;
	v16 =	vsel vm1, $0xC37F0000, v3;
	v17 =	vld [tilespmem:s16+$0x50];
	v11 =	vmul.f32 v11, v12  }
0x71: {  	vm1 =	veq.s32 v13, v5;
	v12 =	vld [tilespmem:s16+$0x60];
	v13 =	vsel vm0, v2, v1  }
0x72: {  	v20 =	vld [tilespmem:s16+$0x8000];
	v21 =	vsel vm1, $0xC37F0000, v3;
	vm0 =	veq.s32 v14, v5;
	v11 =	vadd.f32 v11, v13  }
0x73: {  	v22 =	vsel vm1, v2, v1;
	v14 =	vld [tilespmem:s16+$0x8010];
	v25 =	vsel vm0, $0xC37F0000, v3;
	vm1 =	veq.s32 v15, v5  }
0x74: {  	v26 =	vld [tilespmem:s16+$0x8020];
	v27 =	vsel vm1, $0xC37F0000, v3;
	vm2 =	veq.s32 v10, v5;
	v28 =	vadd.s32 $0xB5000000, v11  }
0x75: {  	v29 =	vsel vm0, v2, v1;
	v30 =	vld [tilespmem:s16+$0x8030];
	v31 =	vsel vm2, $0xC37F0000, v3;
	vm0 =	veq.s32 v17, v5  }
0x76: {  	v13 =	vsel vm1, v2, v1;
	v32 =	vld [tilespmem:s16+$0x8040];
	v18 =	vsel vm0, $0xC37F0000, v3;
	vm1 =	veq.s32 v12, v5  }
.Ltmp1:
0x77: {  	v12 =	vsel vm2, v2, v1;
	v20 =	vmul.f32 v16, v20;
	v17 =	vld [tilespmem:s16+$0x8050];
	v16 =	vsel vm1, $0xC37F0000, v3;
	(pc) =	sbr.rel @p0 .LBB2_5-.Ltmp1, $4  }
0x78: {  	v11 =	vsel vm0, v2, v1;
	v10 =	vsel vm1, v2, v1;
	v14 =	vmul.f32 v21, v14;
	v15 =	vld [tilespmem:s16+$0x8060]  }
0x79: {  	v19 =	vadd.f32 v20, v19;
	v20 =	vmul.f32 v25, v26;
	[tilespmem:v28+s23+$0x0] =	vst.idx.add.f32.msk $0xffff, v4  }
0x7a: {  	v21 =	vadd.f32 v14, v22;
	v22 =	vmul.f32 v27, v30;
	[tilespmem:v23+s23+$0x0] =	vst.idx.add.f32.msk $0xffff, v4  }
0x7b: {  	v14 =	vadd.s32 $0xB5000000, v19;
	v19 =	vadd.f32 v20, v29;
	v20 =	vmul.f32 v31, v32;
	[tilespmem:v24+s23+$0x0] =	vst.idx.add.f32.msk $0xffff, v4  }
0x7c: {  	_ =	sdelay $0x3  }
0x7d: {  	v21 =	vadd.s32 $0xB5000000, v21;
	v13 =	vadd.f32 v22, v13;
	v17 =	vmul.f32 v18, v17;
	[tilespmem:v9+s23+$0x0] =	vst.idx.add.f32.msk $0xffff, v4  }
0x7e: {  	[tilespmem:v7+s23+$0x0] =	vst.idx.add.f32.msk $0xffff, v4;
	v9 =	vadd.s32 $0xB5000000, v19;
	v12 =	vadd.f32 v20, v12;
	v15 =	vmul.f32 v16, v15  }
0x7f: {  	[tilespmem:v8+s23+$0x0] =	vst.idx.add.f32.msk $0xffff, v4;
	v7 =	vadd.s32 $0xB5000000, v13;
	v11 =	vadd.f32 v17, v11  }
0x80: {  	[tilespmem:v6+s23+$0x0] =	vst.idx.add.f32.msk $0xffff, v4;
	v8 =	vadd.s32 $0xB5000000, v12;
	v10 =	vadd.f32 v15, v10  }
0x81: {  	[tilespmem:v14+s23+$0x0] =	vst.idx.add.f32.msk $0xffff, v4;
	v6 =	vadd.s32 $0xB5000000, v11  }
0x82: {  	v10 =	vadd.s32 $0xB5000000, v10;
	[tilespmem:v21+s23+$0x0] =	vst.idx.add.f32.msk $0xffff, v4  }
0x83: {  	[tilespmem:v9+s23+$0x0] =	vst.idx.add.f32.msk $0xffff, v4  }
0x84: {  	[tilespmem:v7+s23+$0x0] =	vst.idx.add.f32.msk $0xffff, v4  }
0x85: {  	s2 =	sadd.s32 s10, s0;
	[tilespmem:v8+s23+$0x0] =	vst.idx.add.f32.msk $0xffff, v4  }
0x86: {  	s2 =	sshrl.u32 s2, $0x3;
	[tilespmem:v6+s23+$0x0] =	vst.idx.add.f32.msk $0xffff, v4  }
0x87: {  	s7 =	simm.s32 $0x0;
	s15 =	simm.s32 $0x0;
	s2 =	sadd.s32 s1, s2;
	[tilespmem:v10+s23+$0x0] =	vst.idx.add.f32.msk $0xffff, v4  }
0x88: {  	[tilespmem:s14], [sflag:$0x1] =	stream.linear.gather [hbm4b:s2+s7], $0x2000, $0x38;
	[tilespmem:$0xE280] =	vst v63  }
0x89: {  	s2 =	sand.u32 $0x1000, s15  }
0x8a: {  	s7 =	sand.u32 $0xC00, s7;
	s15 =	simm.s32 $0x0;
	_ =	swait.ge [sflag:s20], $0x2000  }
0x8b: {  	s2 =	sor.u32 s7, s2;
	s16 =	sand.u32 $0x380, s15;
	[sflag:s20] =	ssyncset.done $0x0  }
0x8c: {  	s7 =	sor.u32 s16, s2;
	[sflag:s20] =	ssyncadd.s32 $0xFFFFE000  }
0x8d: {  	v6 =	vld [tilespmem:s7+$0x2070]  }
0x8e: {  	v7 =	vld [tilespmem:s7+$0x2000]  }
0x8f: {  	v8 =	vld [tilespmem:s7+$0xA070]  }
0x90: {  	v9 =	vld [tilespmem:s7+$0xA000]  }
0x91: {  	v10 =	vld [tilespmem:s7+$0x2010]  }
0x92: {  	v11 =	vld [tilespmem:s7+$0x2020]  }
0x93: {  	v12 =	vld [tilespmem:s7+$0x2040]  }
0x94: {  	v15 =	vld [tilespmem:s7+$0x2060]  }
0x95: {  	v20 =	vld [tilespmem:s7+$0xA060]  }
0x96: {  	vm0 =	veq.s32 v6, v5;
	v6 =	vld [tilespmem:s7+$0x2030]  }
0x97: {  	vm1 =	veq.s32 v7, v5;
	vm15 =	veq.s32 v10, v5;
	v10 =	vld [tilespmem:s7+$0xA030];
	v7 =	vsel vm0, $0xC37F0000, v3  }
0x98: {  	vm4 =	veq.s32 v11, v5;
	v11 =	vld [tilespmem:s7+$0xA040];
	v13 =	vsel vm1, $0xC37F0000, v3;
	v7 =	vmul.f32 v7, v8  }
0x99: {  	v14 =	vsel vm0, v2, v1;
	v8 =	vld [tilespmem:s7+$0x2050];
	v9 =	vmul.f32 v13, v9  }
0x9a: {  	s19 =	simm.s32 $0x80;
	s2 =	simm.s32 $0x400;
	v13 =	vsel vm1, v2, v1;
	v7 =	vadd.f32 v7, v14;
	v14 =	vld [tilespmem:s7+$0xA010]  }
0x9b: {  	s8 =	sand.u32 $0x1000, s19;
	s16 =	simm.s32 $0x20;
	s13 =	sand.u32 $0xC00, s2;
	v9 =	vadd.f32 v9, v13;
	v13 =	vld [tilespmem:s7+$0xA020]  }
0x9c: {  	s19 =	sand.u32 $0x380, s16;
	vm2 =	veq.s32 v12, v5;
	vm5 =	veq.s32 v6, v5;
	v6 =	vld [tilespmem:s7+$0xA050];
	s7 =	sor.u32 s13, s8  }
0x9d: {  	v21 =	vsel vm2, $0xC37F0000, v3;
	v7 =	vadd.s32 $0xB5000000, v7;
	s15 =	sor.u32 s19, s7  }
0x9e: {  	v11 =	vmul.f32 v21, v11;
	v9 =	vadd.s32 $0xB5000000, v9;
	v19 =	vsel vm5, $0xC37F0000, v3;
	v21 =	vld [tilespmem:s15+$0xA010]  }
0x9f: {  	v16 =	vsel vm15, $0xC37F0000, v3;
	v10 =	vmul.f32 v19, v10;
	v25 =	vld [tilespmem:s15+$0xA020]  }
0xa0: {  	vm6 =	veq.s32 v8, v5;
	v8 =	vsel vm5, v2, v1;
	v14 =	vmul.f32 v16, v14;
	v16 =	vld [tilespmem:s15+$0x2070]  }
0xa1: {  	vm7 =	veq.s32 v15, v5;
	v17 =	vsel vm15, v2, v1;
	v8 =	vadd.f32 v10, v8;
	v10 =	vld [tilespmem:s15+$0x2010]  }
0xa2: {  	v18 =	vsel vm4, $0xC37F0000, v3;
	v12 =	vsel vm4, v2, v1;
	v19 =	vsel vm7, v2, v1;
	[tilespmem:v7+s23+$0x0] =	vst.idx.add.f32.msk $0xffff, v4  }
0xa3: {  	v15 =	vsel vm7, $0xC37F0000, v3;
	v13 =	vmul.f32 v18, v13;
	v18 =	vsel vm6, v2, v1;
	[tilespmem:v9+s23+$0x0] =	vst.idx.add.f32.msk $0xffff, v4  }
0xa4: {  	v7 =	vsel vm6, $0xC37F0000, v3;
	v9 =	vsel vm2, v2, v1;
	v14 =	vadd.f32 v14, v17;
	v17 =	vld [tilespmem:s15+$0x2000]  }
0xa5: {  	v12 =	vadd.f32 v13, v12;
	v13 =	vld [tilespmem:s15+$0xA070];
	v6 =	vmul.f32 v7, v6;
	v7 =	vadd.f32 v11, v9  }
0xa6: {  	v11 =	vmul.f32 v15, v20;
	v9 =	vadd.s32 $0xB5000000, v8;
	v15 =	vld [tilespmem:s15+$0x2030];
	v14 =	vadd.s32 $0xB5000000, v14  }
0xa7: {  	v23 =	vadd.s32 $0xB5000000, v12;
	v12 =	vld [tilespmem:s15+$0x2020];
	v6 =	vadd.f32 v6, v18;
	vm8 =	veq.s32 v16, v5  }
0xa8: {  	v7 =	vadd.s32 $0xB5000000, v7;
	v11 =	vadd.f32 v11, v19;
	v16 =	vld [tilespmem:s15+$0x2040];
	vm10 =	veq.s32 v10, v5  }
0xa9: {  	v10 =	vld [tilespmem:s15+$0xA000];
	v18 =	vsel vm8, $0xC37F0000, v3;
	v22 =	vsel vm10, v2, v1;
	v8 =	vadd.s32 $0xB5000000, v6  }
0xaa: {  	v29 =	vld [tilespmem:s15+$0xA030];
	vm9 =	veq.s32 v17, v5;
	v13 =	vmul.f32 v18, v13;
	v6 =	vadd.s32 $0xB5000000, v11  }
0xab: {  	v17 =	vld [tilespmem:s15+$0x2050];
	v18 =	vsel vm8, v2, v1;
	v19 =	vsel vm9, v2, v1;
	v20 =	vsel vm9, $0xC37F0000, v3  }
0xac: {  	v11 =	vld [tilespmem:s15+$0x2060];
	vm12 =	veq.s32 v15, v5;
	v13 =	vadd.f32 v13, v18;
	vm11 =	veq.s32 v12, v5  }
0xad: {  	v31 =	vld [tilespmem:s15+$0xA040];
	v18 =	vsel vm10, $0xC37F0000, v3;
	v27 =	vsel vm12, $0xC37F0000, v3;
	v24 =	vsel vm11, $0xC37F0000, v3  }
0xae: {  	vm13 =	veq.s32 v16, v5;
	v28 =	vsel vm11, v2, v1;
	v16 =	vmul.f32 v20, v10  }
0xaf: {  	[tilespmem:v14+s23+$0x0] =	vst.idx.add.f32.msk $0xffff, v4;
	v20 =	vmul.f32 v18, v21;
	v26 =	vadd.s32 $0xB5000000, v13;
	v30 =	vsel vm13, $0xC37F0000, v3  }
0xb0: {  	v13 =	vsel vm12, v2, v1;
	v12 =	vsel vm13, v2, v1;
	vm14 =	veq.s32 v17, v5;
	v17 =	vld [tilespmem:s15+$0xA050]  }
0xb1: {  	v15 =	vld [tilespmem:s15+$0xA060];
	v24 =	vmul.f32 v24, v25;
	vm15 =	veq.s32 v11, v5;
	v19 =	vadd.f32 v16, v19  }
0xb2: {  	v21 =	vadd.f32 v20, v22;
	v22 =	vmul.f32 v27, v29;
	v20 =	vmul.f32 v30, v31  }
0xb3: {  	[tilespmem:v23+s23+$0x0] =	vst.idx.add.f32.msk $0xffff, v4;
	v11 =	vsel vm14, v2, v1;
	v10 =	vsel vm15, v2, v1;
	v18 =	vsel vm14, $0xC37F0000, v3  }
0xb4: {  	s15 =	simm.s32 $0x8;
	v16 =	vsel vm15, $0xC37F0000, v3;
	v14 =	vadd.s32 $0xB5000000, v19;
	v19 =	vadd.f32 v24, v28;
	[tilespmem:v26+s23+$0x0] =	vst.idx.add.f32.msk $0xffff, v4  }
.LBB2_7:
0xb5: {  	s15 =	sadd.s32 $0x8, s15;
	v23 =	vadd.s32 $0xB5000000, v21;
	v13 =	vadd.f32 v22, v13;
	v17 =	vmul.f32 v18, v17;
	[tilespmem:v9+s23+$0x0] =	vst.idx.add.f32.msk $0xffff, v4  }
0xb6: {  	s2 =	sadd.s32 $0x400, s2;
	s7 =	sshll.u32 s15, $0x4;
	p0 =	slt.u32 s15, $0x1F8;
	v24 =	vadd.s32 $0xB5000000, v19;
	v12 =	vadd.f32 v20, v12;
	v15 =	vmul.f32 v16, v15;
	[tilespmem:v7+s23+$0x0] =	vst.idx.add.f32.msk $0xffff, v4  }
0xb7: {  	s16 =	sand.u32 $0xC00, s2;
	s19 =	sshll.u32 s15, $0x2;
	s7 =	sand.u32 $0x1000, s7;
	v9 =	vadd.s32 $0xB5000000, v13;
	v11 =	vadd.f32 v17, v11;
	[tilespmem:v8+s23+$0x0] =	vst.idx.add.f32.msk $0xffff, v4  }
0xb8: {  	s7 =	sor.u32 s16, s7;
	s16 =	sand.u32 $0x380, s19;
	v7 =	vadd.s32 $0xB5000000, v12;
	v10 =	vadd.f32 v15, v10;
	[tilespmem:v6+s23+$0x0] =	vst.idx.add.f32.msk $0xffff, v4  }
0xb9: {  	s16 =	sor.u32 s16, s7;
	[tilespmem:v14+s23+$0x0] =	vst.idx.add.f32.msk $0xffff, v4;
	v8 =	vadd.s32 $0xB5000000, v11  }
0xba: {  	v11 =	vld [tilespmem:s16+$0x2070];
	v6 =	vadd.s32 $0xB5000000, v10  }
0xbb: {  	v10 =	vld [tilespmem:s16+$0x2000]  }
0xbc: {  	v12 =	vld [tilespmem:s16+$0xA070]  }
0xbd: {  	v13 =	vld [tilespmem:s16+$0x2010]  }
0xbe: {  	v14 =	vld [tilespmem:s16+$0x2020]  }
0xbf: {  	v15 =	vld [tilespmem:s16+$0x2030];
	vm0 =	veq.s32 v11, v5  }
0xc0: {  	vm1 =	veq.s32 v10, v5;
	v10 =	vld [tilespmem:s16+$0x2040];
	v11 =	vsel vm0, $0xC37F0000, v3  }
0xc1: {  	v19 =	vsel vm1, v2, v1;
	v16 =	vsel vm1, $0xC37F0000, v3;
	v17 =	vld [tilespmem:s16+$0x2050];
	v11 =	vmul.f32 v11, v12  }
0xc2: {  	vm1 =	veq.s32 v13, v5;
	v12 =	vld [tilespmem:s16+$0x2060];
	v13 =	vsel vm0, v2, v1  }
0xc3: {  	v20 =	vld [tilespmem:s16+$0xA000];
	v21 =	vsel vm1, $0xC37F0000, v3;
	vm0 =	veq.s32 v14, v5;
	v11 =	vadd.f32 v11, v13  }
0xc4: {  	v22 =	vsel vm1, v2, v1;
	v14 =	vld [tilespmem:s16+$0xA010];
	v25 =	vsel vm0, $0xC37F0000, v3;
	vm1 =	veq.s32 v15, v5  }
0xc5: {  	v26 =	vld [tilespmem:s16+$0xA020];
	v27 =	vsel vm1, $0xC37F0000, v3;
	vm2 =	veq.s32 v10, v5;
	v28 =	vadd.s32 $0xB5000000, v11  }
0xc6: {  	v29 =	vsel vm0, v2, v1;
	v30 =	vld [tilespmem:s16+$0xA030];
	v31 =	vsel vm2, $0xC37F0000, v3;
	vm0 =	veq.s32 v17, v5  }
0xc7: {  	v13 =	vsel vm1, v2, v1;
	v32 =	vld [tilespmem:s16+$0xA040];
	v18 =	vsel vm0, $0xC37F0000, v3;
	vm1 =	veq.s32 v12, v5  }
.Ltmp2:
0xc8: {  	v12 =	vsel vm2, v2, v1;
	v20 =	vmul.f32 v16, v20;
	v17 =	vld [tilespmem:s16+$0xA050];
	v16 =	vsel vm1, $0xC37F0000, v3;
	(pc) =	sbr.rel @p0 .LBB2_7-.Ltmp2, $4  }
0xc9: {  	v11 =	vsel vm0, v2, v1;
	v10 =	vsel vm1, v2, v1;
	v14 =	vmul.f32 v21, v14;
	v15 =	vld [tilespmem:s16+$0xA060]  }
0xca: {  	v19 =	vadd.f32 v20, v19;
	v20 =	vmul.f32 v25, v26;
	[tilespmem:v28+s23+$0x0] =	vst.idx.add.f32.msk $0xffff, v4  }
0xcb: {  	v21 =	vadd.f32 v14, v22;
	v22 =	vmul.f32 v27, v30;
	[tilespmem:v23+s23+$0x0] =	vst.idx.add.f32.msk $0xffff, v4  }
0xcc: {  	v14 =	vadd.s32 $0xB5000000, v19;
	v19 =	vadd.f32 v20, v29;
	v20 =	vmul.f32 v31, v32;
	[tilespmem:v24+s23+$0x0] =	vst.idx.add.f32.msk $0xffff, v4  }
0xcd: {  	_ =	sdelay $0x3  }
0xce: {  	v21 =	vadd.s32 $0xB5000000, v21;
	v13 =	vadd.f32 v22, v13;
	v17 =	vmul.f32 v18, v17;
	[tilespmem:v9+s23+$0x0] =	vst.idx.add.f32.msk $0xffff, v4  }
0xcf: {  	[tilespmem:v7+s23+$0x0] =	vst.idx.add.f32.msk $0xffff, v4;
	v9 =	vadd.s32 $0xB5000000, v19;
	v12 =	vadd.f32 v20, v12;
	v15 =	vmul.f32 v16, v15  }
0xd0: {  	[tilespmem:v8+s23+$0x0] =	vst.idx.add.f32.msk $0xffff, v4;
	v7 =	vadd.s32 $0xB5000000, v13;
	v11 =	vadd.f32 v17, v11  }
0xd1: {  	[tilespmem:v6+s23+$0x0] =	vst.idx.add.f32.msk $0xffff, v4;
	v8 =	vadd.s32 $0xB5000000, v12;
	v10 =	vadd.f32 v15, v10  }
0xd2: {  	[tilespmem:v14+s23+$0x0] =	vst.idx.add.f32.msk $0xffff, v4;
	v6 =	vadd.s32 $0xB5000000, v11  }
0xd3: {  	v10 =	vadd.s32 $0xB5000000, v10;
	[tilespmem:v21+s23+$0x0] =	vst.idx.add.f32.msk $0xffff, v4  }
0xd4: {  	[tilespmem:v9+s23+$0x0] =	vst.idx.add.f32.msk $0xffff, v4  }
0xd5: {  	[tilespmem:v7+s23+$0x0] =	vst.idx.add.f32.msk $0xffff, v4  }
0xd6: {  	s0 =	sadd.s32 s11, s0;
	[tilespmem:v8+s23+$0x0] =	vst.idx.add.f32.msk $0xffff, v4  }
0xd7: {  	s2 =	simm.s32 $0x0;
	s0 =	sshrl.u32 s0, $0x3;
	[tilespmem:v6+s23+$0x0] =	vst.idx.add.f32.msk $0xffff, v4  }
0xd8: {  	s13 =	simm.s32 $0x0;
	s7 =	simm.s32 $0x0;
	s0 =	sadd.s32 s1, s0;
	[tilespmem:v10+s23+$0x0] =	vst.idx.add.f32.msk $0xffff, v4  }
0xd9: {  	[tilespmem:s21], [sflag:$0x2] =	stream.linear.gather [hbm4b:s0+s2], $0x2000, $0x38;
	[tilespmem:$0xE280] =	vst v63  }
0xda: {  	s0 =	sand.u32 $0x1000, s13;
	s2 =	sand.u32 $0xC00, s2;
	_ =	swait.ge [sflag:s22], $0x2000  }
0xdb: {  	s7 =	sand.u32 $0x380, s7;
	s0 =	sor.u32 s2, s0;
	[sflag:s22] =	ssyncset.done $0x0  }
0xdc: {  	s2 =	sor.u32 s7, s0;
	[sflag:s22] =	ssyncadd.s32 $0xFFFFE000  }
0xdd: {  	v6 =	vld [tilespmem:s2+$0x4070]  }
0xde: {  	v7 =	vld [tilespmem:s2+$0x4000]  }
0xdf: {  	v8 =	vld [tilespmem:s2+$0x8070]  }
0xe0: {  	v9 =	vld [tilespmem:s2+$0x8000]  }
0xe1: {  	v10 =	vld [tilespmem:s2+$0x4010]  }
0xe2: {  	v11 =	vld [tilespmem:s2+$0x4020]  }
0xe3: {  	v12 =	vld [tilespmem:s2+$0x4040]  }
0xe4: {  	v15 =	vld [tilespmem:s2+$0x4060]  }
0xe5: {  	v20 =	vld [tilespmem:s2+$0x8060]  }
0xe6: {  	vm0 =	veq.s32 v6, v5;
	v6 =	vld [tilespmem:s2+$0x4030]  }
0xe7: {  	vm1 =	veq.s32 v7, v5;
	vm15 =	veq.s32 v10, v5;
	v10 =	vld [tilespmem:s2+$0x8030];
	v7 =	vsel vm0, $0xC37F0000, v3  }
0xe8: {  	vm4 =	veq.s32 v11, v5;
	v11 =	vld [tilespmem:s2+$0x8040];
	v13 =	vsel vm1, $0xC37F0000, v3;
	v7 =	vmul.f32 v7, v8  }
0xe9: {  	v14 =	vsel vm0, v2, v1;
	v8 =	vld [tilespmem:s2+$0x4050];
	v9 =	vmul.f32 v13, v9  }
0xea: {  	s15 =	simm.s32 $0x80;
	s0 =	simm.s32 $0x400;
	v13 =	vsel vm1, v2, v1;
	v7 =	vadd.f32 v7, v14;
	v14 =	vld [tilespmem:s2+$0x8010]  }
0xeb: {  	s16 =	sand.u32 $0x1000, s15;
	s15 =	simm.s32 $0x20;
	s19 =	sand.u32 $0xC00, s0;
	v9 =	vadd.f32 v9, v13;
	v13 =	vld [tilespmem:s2+$0x8020]  }
0xec: {  	s15 =	sand.u32 $0x380, s15;
	vm2 =	veq.s32 v12, v5;
	vm5 =	veq.s32 v6, v5;
	v6 =	vld [tilespmem:s2+$0x8050];
	s2 =	sor.u32 s19, s16  }
0xed: {  	v21 =	vsel vm2, $0xC37F0000, v3;
	v7 =	vadd.s32 $0xB5000000, v7;
	s2 =	sor.u32 s15, s2  }
0xee: {  	v11 =	vmul.f32 v21, v11;
	v9 =	vadd.s32 $0xB5000000, v9;
	v19 =	vsel vm5, $0xC37F0000, v3;
	v21 =	vld [tilespmem:s2+$0x8010]  }
0xef: {  	v16 =	vsel vm15, $0xC37F0000, v3;
	v10 =	vmul.f32 v19, v10;
	v25 =	vld [tilespmem:s2+$0x8020]  }
0xf0: {  	vm6 =	veq.s32 v8, v5;
	v8 =	vsel vm5, v2, v1;
	v14 =	vmul.f32 v16, v14;
	v16 =	vld [tilespmem:s2+$0x4070]  }
0xf1: {  	vm7 =	veq.s32 v15, v5;
	v17 =	vsel vm15, v2, v1;
	v8 =	vadd.f32 v10, v8;
	v10 =	vld [tilespmem:s2+$0x4010]  }
0xf2: {  	v18 =	vsel vm4, $0xC37F0000, v3;
	v12 =	vsel vm4, v2, v1;
	v19 =	vsel vm7, v2, v1;
	[tilespmem:v7+s23+$0x0] =	vst.idx.add.f32.msk $0xffff, v4  }
0xf3: {  	v15 =	vsel vm7, $0xC37F0000, v3;
	v13 =	vmul.f32 v18, v13;
	v18 =	vsel vm6, v2, v1;
	[tilespmem:v9+s23+$0x0] =	vst.idx.add.f32.msk $0xffff, v4  }
0xf4: {  	v7 =	vsel vm6, $0xC37F0000, v3;
	v9 =	vsel vm2, v2, v1;
	v14 =	vadd.f32 v14, v17;
	v17 =	vld [tilespmem:s2+$0x4000]  }
0xf5: {  	v12 =	vadd.f32 v13, v12;
	v13 =	vld [tilespmem:s2+$0x8070];
	v6 =	vmul.f32 v7, v6;
	v7 =	vadd.f32 v11, v9  }
0xf6: {  	v11 =	vmul.f32 v15, v20;
	v9 =	vadd.s32 $0xB5000000, v8;
	v15 =	vld [tilespmem:s2+$0x4030];
	v14 =	vadd.s32 $0xB5000000, v14  }
0xf7: {  	v23 =	vadd.s32 $0xB5000000, v12;
	v12 =	vld [tilespmem:s2+$0x4020];
	v6 =	vadd.f32 v6, v18;
	vm8 =	veq.s32 v16, v5  }
0xf8: {  	v7 =	vadd.s32 $0xB5000000, v7;
	v11 =	vadd.f32 v11, v19;
	v16 =	vld [tilespmem:s2+$0x4040];
	vm10 =	veq.s32 v10, v5  }
0xf9: {  	v10 =	vld [tilespmem:s2+$0x8000];
	v18 =	vsel vm8, $0xC37F0000, v3;
	v22 =	vsel vm10, v2, v1;
	v8 =	vadd.s32 $0xB5000000, v6  }
0xfa: {  	v29 =	vld [tilespmem:s2+$0x8030];
	vm9 =	veq.s32 v17, v5;
	v13 =	vmul.f32 v18, v13;
	v6 =	vadd.s32 $0xB5000000, v11  }
0xfb: {  	v17 =	vld [tilespmem:s2+$0x4050];
	v18 =	vsel vm8, v2, v1;
	v19 =	vsel vm9, v2, v1;
	v20 =	vsel vm9, $0xC37F0000, v3  }
0xfc: {  	v11 =	vld [tilespmem:s2+$0x4060];
	vm12 =	veq.s32 v15, v5;
	v13 =	vadd.f32 v13, v18;
	vm11 =	veq.s32 v12, v5  }
0xfd: {  	v31 =	vld [tilespmem:s2+$0x8040];
	v18 =	vsel vm10, $0xC37F0000, v3;
	v27 =	vsel vm12, $0xC37F0000, v3;
	v24 =	vsel vm11, $0xC37F0000, v3  }
0xfe: {  	vm13 =	veq.s32 v16, v5;
	v28 =	vsel vm11, v2, v1;
	v16 =	vmul.f32 v20, v10  }
0xff: {  	[tilespmem:v14+s23+$0x0] =	vst.idx.add.f32.msk $0xffff, v4;
	v20 =	vmul.f32 v18, v21;
	v26 =	vadd.s32 $0xB5000000, v13;
	v30 =	vsel vm13, $0xC37F0000, v3  }
0x100: {  	v13 =	vsel vm12, v2, v1;
	v12 =	vsel vm13, v2, v1;
	vm14 =	veq.s32 v17, v5;
	v17 =	vld [tilespmem:s2+$0x8050]  }
0x101: {  	v15 =	vld [tilespmem:s2+$0x8060];
	v24 =	vmul.f32 v24, v25;
	vm15 =	veq.s32 v11, v5;
	v19 =	vadd.f32 v16, v19  }
0x102: {  	v21 =	vadd.f32 v20, v22;
	v22 =	vmul.f32 v27, v29;
	v20 =	vmul.f32 v30, v31  }
0x103: {  	[tilespmem:v23+s23+$0x0] =	vst.idx.add.f32.msk $0xffff, v4;
	v11 =	vsel vm14, v2, v1;
	v10 =	vsel vm15, v2, v1;
	v18 =	vsel vm14, $0xC37F0000, v3  }
0x104: {  	s2 =	simm.s32 $0x8;
	v16 =	vsel vm15, $0xC37F0000, v3;
	v14 =	vadd.s32 $0xB5000000, v19;
	v19 =	vadd.f32 v24, v28;
	[tilespmem:v26+s23+$0x0] =	vst.idx.add.f32.msk $0xffff, v4  }
.LBB2_9:
0x105: {  	s2 =	sadd.s32 $0x8, s2;
	v23 =	vadd.s32 $0xB5000000, v21;
	v13 =	vadd.f32 v22, v13;
	v17 =	vmul.f32 v18, v17;
	[tilespmem:v9+s23+$0x0] =	vst.idx.add.f32.msk $0xffff, v4  }
0x106: {  	s0 =	sadd.s32 $0x400, s0;
	s7 =	sshll.u32 s2, $0x4;
	p0 =	slt.u32 s2, $0x1F8;
	v24 =	vadd.s32 $0xB5000000, v19;
	v12 =	vadd.f32 v20, v12;
	v15 =	vmul.f32 v16, v15;
	[tilespmem:v7+s23+$0x0] =	vst.idx.add.f32.msk $0xffff, v4  }
0x107: {  	s15 =	sand.u32 $0xC00, s0;
	s16 =	sshll.u32 s2, $0x2;
	s7 =	sand.u32 $0x1000, s7;
	v9 =	vadd.s32 $0xB5000000, v13;
	v11 =	vadd.f32 v17, v11;
	[tilespmem:v8+s23+$0x0] =	vst.idx.add.f32.msk $0xffff, v4  }
0x108: {  	s16 =	sand.u32 $0x380, s16;
	s7 =	sor.u32 s15, s7;
	v7 =	vadd.s32 $0xB5000000, v12;
	v10 =	vadd.f32 v15, v10;
	[tilespmem:v6+s23+$0x0] =	vst.idx.add.f32.msk $0xffff, v4  }
0x109: {  	s15 =	sor.u32 s16, s7;
	[tilespmem:v14+s23+$0x0] =	vst.idx.add.f32.msk $0xffff, v4;
	v8 =	vadd.s32 $0xB5000000, v11  }
0x10a: {  	v11 =	vld [tilespmem:s15+$0x4070];
	v6 =	vadd.s32 $0xB5000000, v10  }
0x10b: {  	v10 =	vld [tilespmem:s15+$0x4000]  }
0x10c: {  	v12 =	vld [tilespmem:s15+$0x8070]  }
0x10d: {  	v13 =	vld [tilespmem:s15+$0x4010]  }
0x10e: {  	v14 =	vld [tilespmem:s15+$0x4020]  }
0x10f: {  	v15 =	vld [tilespmem:s15+$0x4030];
	vm0 =	veq.s32 v11, v5  }
0x110: {  	vm1 =	veq.s32 v10, v5;
	v10 =	vld [tilespmem:s15+$0x4040];
	v11 =	vsel vm0, $0xC37F0000, v3  }
0x111: {  	v19 =	vsel vm1, v2, v1;
	v16 =	vsel vm1, $0xC37F0000, v3;
	v17 =	vld [tilespmem:s15+$0x4050];
	v11 =	vmul.f32 v11, v12  }
0x112: {  	vm1 =	veq.s32 v13, v5;
	v12 =	vld [tilespmem:s15+$0x4060];
	v13 =	vsel vm0, v2, v1  }
0x113: {  	v20 =	vld [tilespmem:s15+$0x8000];
	v21 =	vsel vm1, $0xC37F0000, v3;
	vm0 =	veq.s32 v14, v5;
	v11 =	vadd.f32 v11, v13  }
0x114: {  	v22 =	vsel vm1, v2, v1;
	v14 =	vld [tilespmem:s15+$0x8010];
	v25 =	vsel vm0, $0xC37F0000, v3;
	vm1 =	veq.s32 v15, v5  }
0x115: {  	v26 =	vld [tilespmem:s15+$0x8020];
	v27 =	vsel vm1, $0xC37F0000, v3;
	vm2 =	veq.s32 v10, v5;
	v28 =	vadd.s32 $0xB5000000, v11  }
0x116: {  	v29 =	vsel vm0, v2, v1;
	v30 =	vld [tilespmem:s15+$0x8030];
	v31 =	vsel vm2, $0xC37F0000, v3;
	vm0 =	veq.s32 v17, v5  }
0x117: {  	v13 =	vsel vm1, v2, v1;
	v32 =	vld [tilespmem:s15+$0x8040];
	v18 =	vsel vm0, $0xC37F0000, v3;
	vm1 =	veq.s32 v12, v5  }
.Ltmp3:
0x118: {  	v12 =	vsel vm2, v2, v1;
	v20 =	vmul.f32 v16, v20;
	v17 =	vld [tilespmem:s15+$0x8050];
	v16 =	vsel vm1, $0xC37F0000, v3;
	(pc) =	sbr.rel @p0 .LBB2_9-.Ltmp3, $4  }
0x119: {  	v11 =	vsel vm0, v2, v1;
	v10 =	vsel vm1, v2, v1;
	v14 =	vmul.f32 v21, v14;
	v15 =	vld [tilespmem:s15+$0x8060]  }
0x11a: {  	v19 =	vadd.f32 v20, v19;
	v20 =	vmul.f32 v25, v26;
	[tilespmem:v28+s23+$0x0] =	vst.idx.add.f32.msk $0xffff, v4  }
0x11b: {  	v21 =	vadd.f32 v14, v22;
	v22 =	vmul.f32 v27, v30;
	[tilespmem:v23+s23+$0x0] =	vst.idx.add.f32.msk $0xffff, v4  }
0x11c: {  	v14 =	vadd.s32 $0xB5000000, v19;
	v19 =	vadd.f32 v20, v29;
	v20 =	vmul.f32 v31, v32;
	[tilespmem:v24+s23+$0x0] =	vst.idx.add.f32.msk $0xffff, v4  }
0x11d: {  	_ =	sdelay $0x3  }
0x11e: {  	v21 =	vadd.s32 $0xB5000000, v21;
	v13 =	vadd.f32 v22, v13;
	v17 =	vmul.f32 v18, v17;
	[tilespmem:v9+s23+$0x0] =	vst.idx.add.f32.msk $0xffff, v4  }
0x11f: {  	[tilespmem:v7+s23+$0x0] =	vst.idx.add.f32.msk $0xffff, v4;
	v9 =	vadd.s32 $0xB5000000, v19;
	v12 =	vadd.f32 v20, v12;
	v15 =	vmul.f32 v16, v15  }
0x120: {  	[tilespmem:v8+s23+$0x0] =	vst.idx.add.f32.msk $0xffff, v4;
	v7 =	vadd.s32 $0xB5000000, v13;
	v11 =	vadd.f32 v17, v11  }
0x121: {  	[tilespmem:v6+s23+$0x0] =	vst.idx.add.f32.msk $0xffff, v4;
	v8 =	vadd.s32 $0xB5000000, v12;
	v10 =	vadd.f32 v15, v10  }
0x122: {  	[tilespmem:v14+s23+$0x0] =	vst.idx.add.f32.msk $0xffff, v4;
	s0 =	sadd.s32 $0x1, s31;
	v6 =	vadd.s32 $0xB5000000, v11  }
0x123: {  	p0 =	slt.s32 s0, $0x14;
	s2 =	smov.u32 s0;
	v10 =	vadd.s32 $0xB5000000, v10;
	[tilespmem:v21+s23+$0x0] =	vst.idx.add.f32.msk $0xffff, v4  }
0x124: {  	s2 =	simm.s32 @!p0 $0x14;
	[tilespmem:v9+s23+$0x0] =	vst.idx.add.f32.msk $0xffff, v4  }
0x125: {  	s2 =	sshll.u32 s2, $0x12;
	[tilespmem:v7+s23+$0x0] =	vst.idx.add.f32.msk $0xffff, v4  }
0x126: {  	s2 =	sor.u32 s5, s2;
	[tilespmem:v8+s23+$0x0] =	vst.idx.add.f32.msk $0xffff, v4  }
0x127: {  	s7 =	simm.s32 $0x0;
	s2 =	sshrl.u32 s2, $0x3;
	[tilespmem:v6+s23+$0x0] =	vst.idx.add.f32.msk $0xffff, v4  }
0x128: {  	s16 =	simm.s32 $0x0;
	s15 =	simm.s32 $0x0;
	s2 =	sadd.s32 s1, s2;
	[tilespmem:v10+s23+$0x0] =	vst.idx.add.f32.msk $0xffff, v4  }
0x129: {  	[tilespmem:s14], [sflag:$0x1] =	stream.linear.gather [hbm4b:s2+s7], $0x2000, $0x38;
	[tilespmem:$0xE280] =	vst v63  }
0x12a: {  	s2 =	sand.u32 $0x1000, s16;
	s7 =	sand.u32 $0xC00, s7;
	_ =	swait.ge [sflag:s20], $0x2000  }
0x12b: {  	s15 =	sand.u32 $0x380, s15;
	s2 =	sor.u32 s7, s2;
	[sflag:s20] =	ssyncset.done $0x0  }
0x12c: {  	s2 =	sor.u32 s15, s2;
	[sflag:s20] =	ssyncadd.s32 $0xFFFFE000  }
0x12d: {  	v6 =	vld [tilespmem:s2+$0x6070]  }
0x12e: {  	v7 =	vld [tilespmem:s2+$0x6000]  }
0x12f: {  	v8 =	vld [tilespmem:s2+$0xA070]  }
0x130: {  	v9 =	vld [tilespmem:s2+$0xA000]  }
0x131: {  	v10 =	vld [tilespmem:s2+$0x6010]  }
0x132: {  	v11 =	vld [tilespmem:s2+$0x6020]  }
0x133: {  	v12 =	vld [tilespmem:s2+$0x6040]  }
0x134: {  	v15 =	vld [tilespmem:s2+$0x6060]  }
0x135: {  	v20 =	vld [tilespmem:s2+$0xA060]  }
0x136: {  	vm0 =	veq.s32 v6, v5;
	v6 =	vld [tilespmem:s2+$0x6030]  }
0x137: {  	vm1 =	veq.s32 v7, v5;
	vm15 =	veq.s32 v10, v5;
	v10 =	vld [tilespmem:s2+$0xA030];
	v7 =	vsel vm0, $0xC37F0000, v3  }
0x138: {  	vm4 =	veq.s32 v11, v5;
	v11 =	vld [tilespmem:s2+$0xA040];
	v13 =	vsel vm1, $0xC37F0000, v3;
	v7 =	vmul.f32 v7, v8  }
0x139: {  	v14 =	vsel vm0, v2, v1;
	v8 =	vld [tilespmem:s2+$0x6050];
	v9 =	vmul.f32 v13, v9  }
0x13a: {  	s19 =	simm.s32 $0x80;
	s16 =	simm.s32 $0x400;
	v13 =	vsel vm1, v2, v1;
	v7 =	vadd.f32 v7, v14;
	v14 =	vld [tilespmem:s2+$0xA010]  }
0x13b: {  	s8 =	sand.u32 $0x1000, s19;
	s19 =	simm.s32 $0x20;
	s13 =	sand.u32 $0xC00, s16;
	v9 =	vadd.f32 v9, v13;
	v13 =	vld [tilespmem:s2+$0xA020]  }
0x13c: {  	s15 =	sand.u32 $0x380, s19;
	vm2 =	veq.s32 v12, v5;
	vm5 =	veq.s32 v6, v5;
	v6 =	vld [tilespmem:s2+$0xA050];
	s2 =	sor.u32 s13, s8  }
0x13d: {  	v21 =	vsel vm2, $0xC37F0000, v3;
	v7 =	vadd.s32 $0xB5000000, v7;
	s2 =	sor.u32 s15, s2  }
0x13e: {  	v11 =	vmul.f32 v21, v11;
	v9 =	vadd.s32 $0xB5000000, v9;
	v19 =	vsel vm5, $0xC37F0000, v3;
	v21 =	vld [tilespmem:s2+$0xA010]  }
0x13f: {  	v16 =	vsel vm15, $0xC37F0000, v3;
	v10 =	vmul.f32 v19, v10;
	v25 =	vld [tilespmem:s2+$0xA020]  }
0x140: {  	vm6 =	veq.s32 v8, v5;
	v8 =	vsel vm5, v2, v1;
	v14 =	vmul.f32 v16, v14;
	v16 =	vld [tilespmem:s2+$0x6070]  }
0x141: {  	vm7 =	veq.s32 v15, v5;
	v17 =	vsel vm15, v2, v1;
	v8 =	vadd.f32 v10, v8;
	v10 =	vld [tilespmem:s2+$0x6010]  }
0x142: {  	v18 =	vsel vm4, $0xC37F0000, v3;
	v12 =	vsel vm4, v2, v1;
	v19 =	vsel vm7, v2, v1;
	[tilespmem:v7+s23+$0x0] =	vst.idx.add.f32.msk $0xffff, v4  }
0x143: {  	v15 =	vsel vm7, $0xC37F0000, v3;
	v13 =	vmul.f32 v18, v13;
	v18 =	vsel vm6, v2, v1;
	[tilespmem:v9+s23+$0x0] =	vst.idx.add.f32.msk $0xffff, v4  }
0x144: {  	v7 =	vsel vm6, $0xC37F0000, v3;
	v9 =	vsel vm2, v2, v1;
	v14 =	vadd.f32 v14, v17;
	v17 =	vld [tilespmem:s2+$0x6000]  }
0x145: {  	v12 =	vadd.f32 v13, v12;
	v13 =	vld [tilespmem:s2+$0xA070];
	v6 =	vmul.f32 v7, v6;
	v7 =	vadd.f32 v11, v9  }
0x146: {  	v11 =	vmul.f32 v15, v20;
	v9 =	vadd.s32 $0xB5000000, v8;
	v15 =	vld [tilespmem:s2+$0x6030];
	v14 =	vadd.s32 $0xB5000000, v14  }
0x147: {  	v23 =	vadd.s32 $0xB5000000, v12;
	v12 =	vld [tilespmem:s2+$0x6020];
	v6 =	vadd.f32 v6, v18;
	vm8 =	veq.s32 v16, v5  }
0x148: {  	v7 =	vadd.s32 $0xB5000000, v7;
	v11 =	vadd.f32 v11, v19;
	v16 =	vld [tilespmem:s2+$0x6040];
	vm10 =	veq.s32 v10, v5  }
0x149: {  	v10 =	vld [tilespmem:s2+$0xA000];
	v18 =	vsel vm8, $0xC37F0000, v3;
	v22 =	vsel vm10, v2, v1;
	v8 =	vadd.s32 $0xB5000000, v6  }
0x14a: {  	v29 =	vld [tilespmem:s2+$0xA030];
	vm9 =	veq.s32 v17, v5;
	v13 =	vmul.f32 v18, v13;
	v6 =	vadd.s32 $0xB5000000, v11  }
0x14b: {  	v17 =	vld [tilespmem:s2+$0x6050];
	v18 =	vsel vm8, v2, v1;
	v19 =	vsel vm9, v2, v1;
	v20 =	vsel vm9, $0xC37F0000, v3  }
0x14c: {  	v11 =	vld [tilespmem:s2+$0x6060];
	vm12 =	veq.s32 v15, v5;
	v13 =	vadd.f32 v13, v18;
	vm11 =	veq.s32 v12, v5  }
0x14d: {  	v31 =	vld [tilespmem:s2+$0xA040];
	v18 =	vsel vm10, $0xC37F0000, v3;
	v27 =	vsel vm12, $0xC37F0000, v3;
	v24 =	vsel vm11, $0xC37F0000, v3  }
0x14e: {  	vm13 =	veq.s32 v16, v5;
	v28 =	vsel vm11, v2, v1;
	v16 =	vmul.f32 v20, v10  }
0x14f: {  	[tilespmem:v14+s23+$0x0] =	vst.idx.add.f32.msk $0xffff, v4;
	v20 =	vmul.f32 v18, v21;
	v26 =	vadd.s32 $0xB5000000, v13;
	v30 =	vsel vm13, $0xC37F0000, v3  }
0x150: {  	v13 =	vsel vm12, v2, v1;
	v12 =	vsel vm13, v2, v1;
	vm14 =	veq.s32 v17, v5;
	v17 =	vld [tilespmem:s2+$0xA050]  }
0x151: {  	v15 =	vld [tilespmem:s2+$0xA060];
	v24 =	vmul.f32 v24, v25;
	vm15 =	veq.s32 v11, v5;
	v21 =	vadd.f32 v16, v19  }
0x152: {  	v19 =	vadd.f32 v20, v22;
	v20 =	vmul.f32 v27, v29;
	v22 =	vmul.f32 v30, v31  }
0x153: {  	[tilespmem:v23+s23+$0x0] =	vst.idx.add.f32.msk $0xffff, v4;
	v11 =	vsel vm14, v2, v1;
	v10 =	vsel vm15, v2, v1;
	v18 =	vsel vm14, $0xC37F0000, v3  }
0x154: {  	s19 =	simm.s32 $0x8;
	s15 =	simm.s32 $0xD008;
	s2 =	simm.s32 $0xE090;
	v16 =	vsel vm15, $0xC37F0000, v3;
	v14 =	vadd.s32 $0xB5000000, v21;
	v21 =	vadd.f32 v24, v28;
	[tilespmem:v26+s23+$0x0] =	vst.idx.add.f32.msk $0xffff, v4  }
.LBB2_11:
0x155: {  	s19 =	sadd.s32 $0x8, s19;
	v23 =	vadd.s32 $0xB5000000, v19;
	v13 =	vadd.f32 v20, v13;
	v17 =	vmul.f32 v18, v17;
	[tilespmem:v9+s23+$0x0] =	vst.idx.add.f32.msk $0xffff, v4  }
0x156: {  	s16 =	sadd.s32 $0x400, s16;
	s7 =	sshll.u32 s19, $0x4;
	p0 =	slt.u32 s19, $0x1F8;
	v24 =	vadd.s32 $0xB5000000, v21;
	v12 =	vadd.f32 v22, v12;
	v15 =	vmul.f32 v16, v15;
	[tilespmem:v7+s23+$0x0] =	vst.idx.add.f32.msk $0xffff, v4  }
0x157: {  	s8 =	sand.u32 $0xC00, s16;
	s13 =	sshll.u32 s19, $0x2;
	s7 =	sand.u32 $0x1000, s7;
	v9 =	vadd.s32 $0xB5000000, v13;
	v11 =	vadd.f32 v17, v11;
	[tilespmem:v8+s23+$0x0] =	vst.idx.add.f32.msk $0xffff, v4  }
0x158: {  	s13 =	sand.u32 $0x380, s13;
	s7 =	sor.u32 s8, s7;
	v7 =	vadd.s32 $0xB5000000, v12;
	v10 =	vadd.f32 v15, v10;
	[tilespmem:v6+s23+$0x0] =	vst.idx.add.f32.msk $0xffff, v4  }
0x159: {  	s7 =	sor.u32 s13, s7;
	[tilespmem:v14+s23+$0x0] =	vst.idx.add.f32.msk $0xffff, v4;
	v8 =	vadd.s32 $0xB5000000, v11  }
0x15a: {  	v11 =	vld [tilespmem:s7+$0x6070];
	v6 =	vadd.s32 $0xB5000000, v10  }
0x15b: {  	v10 =	vld [tilespmem:s7+$0x6000]  }
0x15c: {  	v12 =	vld [tilespmem:s7+$0xA070]  }
0x15d: {  	v13 =	vld [tilespmem:s7+$0x6010]  }
0x15e: {  	v14 =	vld [tilespmem:s7+$0x6020]  }
0x15f: {  	v15 =	vld [tilespmem:s7+$0x6030];
	vm0 =	veq.s32 v11, v5  }
0x160: {  	vm1 =	veq.s32 v10, v5;
	v10 =	vld [tilespmem:s7+$0x6040];
	v11 =	vsel vm0, $0xC37F0000, v3  }
0x161: {  	v19 =	vsel vm1, v2, v1;
	v16 =	vsel vm1, $0xC37F0000, v3;
	v17 =	vld [tilespmem:s7+$0x6050];
	v11 =	vmul.f32 v11, v12  }
0x162: {  	vm1 =	veq.s32 v13, v5;
	v12 =	vld [tilespmem:s7+$0x6060];
	v13 =	vsel vm0, v2, v1  }
0x163: {  	v20 =	vld [tilespmem:s7+$0xA000];
	v21 =	vsel vm1, $0xC37F0000, v3;
	vm0 =	veq.s32 v14, v5;
	v11 =	vadd.f32 v11, v13  }
0x164: {  	v22 =	vsel vm1, v2, v1;
	v14 =	vld [tilespmem:s7+$0xA010];
	v25 =	vsel vm0, $0xC37F0000, v3;
	vm1 =	veq.s32 v15, v5  }
0x165: {  	v26 =	vld [tilespmem:s7+$0xA020];
	v27 =	vsel vm1, $0xC37F0000, v3;
	vm2 =	veq.s32 v10, v5;
	v28 =	vadd.s32 $0xB5000000, v11  }
0x166: {  	v29 =	vsel vm0, v2, v1;
	v30 =	vld [tilespmem:s7+$0xA030];
	v31 =	vsel vm2, $0xC37F0000, v3;
	vm0 =	veq.s32 v17, v5  }
0x167: {  	v13 =	vsel vm1, v2, v1;
	v32 =	vld [tilespmem:s7+$0xA040];
	v18 =	vsel vm0, $0xC37F0000, v3;
	vm1 =	veq.s32 v12, v5  }
.Ltmp4:
0x168: {  	v12 =	vsel vm2, v2, v1;
	v20 =	vmul.f32 v16, v20;
	v17 =	vld [tilespmem:s7+$0xA050];
	v16 =	vsel vm1, $0xC37F0000, v3;
	(pc) =	sbr.rel @p0 .LBB2_11-.Ltmp4, $4  }
0x169: {  	v11 =	vsel vm0, v2, v1;
	v10 =	vsel vm1, v2, v1;
	v14 =	vmul.f32 v21, v14;
	v15 =	vld [tilespmem:s7+$0xA060]  }
0x16a: {  	v21 =	vadd.f32 v20, v19;
	v25 =	vmul.f32 v25, v26;
	[tilespmem:v28+s23+$0x0] =	vst.idx.add.f32.msk $0xffff, v4  }
0x16b: {  	v19 =	vadd.f32 v14, v22;
	v20 =	vmul.f32 v27, v30;
	[tilespmem:v23+s23+$0x0] =	vst.idx.add.f32.msk $0xffff, v4  }
0x16c: {  	v14 =	vadd.s32 $0xB5000000, v21;
	v21 =	vadd.f32 v25, v29;
	v22 =	vmul.f32 v31, v32;
	[tilespmem:v24+s23+$0x0] =	vst.idx.add.f32.msk $0xffff, v4  }
0x16d: {  	_ =	sdelay $0x3  }
0x16e: {  	v5 =	vadd.s32 $0xB5000000, v19;
	v13 =	vadd.f32 v20, v13;
	v17 =	vmul.f32 v18, v17;
	[tilespmem:v9+s23+$0x0] =	vst.idx.add.f32.msk $0xffff, v4  }
0x16f: {  	[tilespmem:v7+s23+$0x0] =	vst.idx.add.f32.msk $0xffff, v4;
	v9 =	vadd.s32 $0xB5000000, v21;
	v12 =	vadd.f32 v22, v12;
	v15 =	vmul.f32 v16, v15  }
0x170: {  	[tilespmem:v8+s23+$0x0] =	vst.idx.add.f32.msk $0xffff, v4;
	v7 =	vadd.s32 $0xB5000000, v13;
	v11 =	vadd.f32 v17, v11  }
0x171: {  	[tilespmem:v6+s23+$0x0] =	vst.idx.add.f32.msk $0xffff, v4;
	v8 =	vadd.s32 $0xB5000000, v12;
	v10 =	vadd.f32 v15, v10  }
0x172: {  	[tilespmem:v14+s23+$0x0] =	vst.idx.add.f32.msk $0xffff, v4;
	v6 =	vadd.s32 $0xB5000000, v11  }
0x173: {  	v10 =	vadd.s32 $0xB5000000, v10;
	[tilespmem:v5+s23+$0x0] =	vst.idx.add.f32.msk $0xffff, v4  }
0x174: {  	[tilespmem:v9+s23+$0x0] =	vst.idx.add.f32.msk $0xffff, v4  }
0x175: {  	[tilespmem:v7+s23+$0x0] =	vst.idx.add.f32.msk $0xffff, v4  }
0x176: {  	[tilespmem:v8+s23+$0x0] =	vst.idx.add.f32.msk $0xffff, v4  }
0x177: {  	[tilespmem:v6+s23+$0x0] =	vst.idx.add.f32.msk $0xffff, v4  }
0x178: {  	[tilespmem:v10+s23+$0x0] =	vst.idx.add.f32.msk $0xffff, v4  }
0x179: {  	v6 =	vld [tilespmem:s15+$0xFFFFF008]  }
0x17a: {  	v7 =	vld [tilespmem:s15+$0xFFFFF209]  }
0x17b: {  	v8 =	vld [tilespmem:s15+$0xFFFFF40A]  }
0x17c: {  	v9 =	vld [tilespmem:s15+$0xFFFFF60B]  }
0x17d: {  	[tilespmem:s15+$0xFFFFF008] =	vst v0;
	v10 =	vld [tilespmem:s15+$0xFFFFF80C]  }
0x17e: {  	[tilespmem:s15+$0xFFFFF209] =	vst v0;
	v11 =	vld [tilespmem:s15+$0xFFFFFA0D]  }
0x17f: {  	[tilespmem:s15+$0xFFFFF40A] =	vst v0;
	v12 =	vld [tilespmem:s15+$0xFFFFFC0E]  }
0x180: {  	[tilespmem:s15+$0xFFFFF60B] =	vst v0;
	v13 =	vld [tilespmem:s15+$0xFFFFFE0F]  }
0x181: {  	[tilespmem:s15+$0xFFFFF80C] =	vst v0;
	v14 =	vld [tilespmem:s15+$0x10]  }
0x182: {  	[tilespmem:s15+$0xFFFFFA0D] =	vst v0;
	v15 =	vld [tilespmem:s15+$0x211]  }
0x183: {  	[tilespmem:s15+$0xFFFFFC0E] =	vst v0;
	v54 =	vld [tilespmem:s15+$0x412]  }
0x184: {  	[tilespmem:s15+$0xFFFFFE0F] =	vst v0;
	v55 =	vld [tilespmem:s15+$0x613]  }
0x185: {  	[tilespmem:s15+$0x10] =	vst v0;
	v56 =	vld [tilespmem:s15+$0x814]  }
0x186: {  	[tilespmem:s15+$0x211] =	vst v0;
	v57 =	vld [tilespmem:s15+$0xA15]  }
0x187: {  	[tilespmem:s15+$0x412] =	vst v0;
	v58 =	vld [tilespmem:s15+$0xC16]  }
0x188: {  	[tilespmem:s15+$0x613] =	vst v0;
	v59 =	vld [tilespmem:s15+$0xE17]  }
0x189: {  	[tilespmem:s15+$0x814] =	vst v0;
	v5 =	vld [tilespmem:s15+$0xFFFFF1F9]  }
0x18a: {  	[tilespmem:s15+$0xA15] =	vst v0;
	v60 =	vld [tilespmem:s15+$0xFFFFF3FA]  }
0x18b: {  	[tilespmem:s15+$0xC16] =	vst v0;
	v23 =	vld [tilespmem:s15+$0xFFFFF5FB]  }
0x18c: {  	[tilespmem:s15+$0xE17] =	vst v0;
	v61 =	vld [tilespmem:s15+$0xFFFFFBFE]  }
0x18d: {  	[tilespmem:s15+$0xFFFFF1F9] =	vst v0;
	v62 =	vld [tilespmem:s15+$0x804];
	v6 =	vadd.f32 v7, v6;
	v7 =	vadd.f32 v9, v8  }
0x18e: {  	[tilespmem:s15+$0xFFFFF3FA] =	vst v0;
	v63 =	vld [tilespmem:s15+$0xA05];
	v8 =	vadd.f32 v11, v10;
	v9 =	vadd.f32 v13, v12  }
0x18f: {  	[tilespmem:s15+$0xFFFFF5FB] =	vst v0;
	v10 =	vld [tilespmem:s15+$0xFFFFF7FC];
	v11 =	vadd.f32 v15, v14;
	v12 =	vadd.f32 v55, v54  }
0x190: {  	[tilespmem:s15+$0xFFFFFBFE] =	vst v0;
	v13 =	vld [tilespmem:s15+$0xFFFFF9FD];
	v14 =	vadd.f32 v57, v56;
	v15 =	vadd.f32 v59, v58  }
0x191: {  	[tilespmem:s15+$0x804] =	vst v0;
	v6 =	vadd.f32 v7, v6;
	v7 =	vadd.f32 v9, v8;
	v8 =	vld [tilespmem:s15+$0xFFFFFDFF]  }
0x192: {  	[tilespmem:s15+$0xA05] =	vst v0;
	v9 =	vadd.f32 v12, v11;
	v12 =	vld [tilespmem:s15+$0x0]  }
0x193: {  	[tilespmem:s15+$0xFFFFF7FC] =	vst v0;
	v11 =	vadd.f32 v15, v14;
	v14 =	vld [tilespmem:s15+$0x201]  }
0x194: {  	[tilespmem:s15+$0xFFFFF9FD] =	vst v0;
	v15 =	vld [tilespmem:s15+$0x603]  }
0x195: {  	[tilespmem:s15+$0xFFFFFDFF] =	vst v0;
	v6 =	vadd.f32 v7, v6;
	v7 =	vadd.f32 v11, v9;
	v11 =	vld [tilespmem:s15+$0x402]  }
0x196: {  	[tilespmem:s15+$0x0] =	vst v0  }
0x197: {  	[tilespmem:s15+$0x201] =	vst v0  }
0x198: {  	[tilespmem:s15+$0x603] =	vst v0;
	v9 =	vld [tilespmem:s15+$0xFFFFEFF8];
	v6 =	vadd.f32 v7, v6  }
0x199: {  	[tilespmem:s15+$0x402] =	vst v0;
	v7 =	vadd.f32 v13, v10;
	v10 =	vadd.f32 v8, v61;
	v8 =	vld [tilespmem:s15+$0xC06]  }
0x19a: {  	[tilespmem:s15+$0xFFFFEFF8] =	vst v0;
	v13 =	vadd.f32 v14, v12;
	v14 =	vadd.f32 v15, v11;
	v11 =	vld [tilespmem:s15+$0xE07]  }
0x19b: {  	[tilespmem:s15+$0xC06] =	vst v0  }
0x19c: {  	v12 =	vadd.f32 v63, v62;
	[tilespmem:s2+$0x0] =	vst v6;
	v6 =	vadd.f32 v23, v60  }
0x19d: {  	s16 =	simm.s32 $0x0;
	s19 =	simm.s32 $0xD028;
	v7 =	vadd.f32 v10, v7;
	[tilespmem:s15+$0xE07] =	vst v0;
	s15 =	simm.s32 $0xE090;
	v10 =	vadd.f32 v14, v13  }
.LBB2_13:
0x19e: {  	v13 =	vld [tilespmem:s19+$0xFFFFF008];
	[tilespmem:s19+$0xFFFFF008] =	vst v0  }
0x19f: {  	v14 =	vld [tilespmem:s19+$0xFFFFF209];
	[tilespmem:s19+$0xFFFFF209] =	vst v0;
	v8 =	vadd.f32 v11, v8  }
0x1a0: {  	v11 =	vld [tilespmem:s19+$0xFFFFF40A];
	[tilespmem:s19+$0xFFFFF40A] =	vst v0;
	v5 =	vadd.f32 v5, v9  }
0x1a1: {  	v9 =	vld [tilespmem:s19+$0xFFFFF60B];
	[tilespmem:s19+$0xFFFFF60B] =	vst v0;
	v8 =	vadd.f32 v8, v12  }
0x1a2: {  	v12 =	vld [tilespmem:s19+$0xFFFFF80C];
	[tilespmem:s19+$0xFFFFF80C] =	vst v0;
	v5 =	vadd.f32 v6, v5  }
0x1a3: {  	v6 =	vld [tilespmem:s19+$0xFFFFFA0D];
	[tilespmem:s19+$0xFFFFFA0D] =	vst v0;
	v8 =	vadd.f32 v8, v10  }
0x1a4: {  	v10 =	vld [tilespmem:s19+$0xFFFFFC0E];
	[tilespmem:s19+$0xFFFFFC0E] =	vst v0;
	v5 =	vadd.f32 v7, v5  }
0x1a5: {  	v7 =	vld [tilespmem:s19+$0xFFFFFE0F];
	[tilespmem:s19+$0xFFFFFE0F] =	vst v0  }
0x1a6: {  	v15 =	vld [tilespmem:s19+$0x10];
	[tilespmem:s19+$0x10] =	vst v0;
	v16 =	vadd.f32 v8, v5  }
0x1a7: {  	v8 =	vld [tilespmem:s19+$0x211];
	[tilespmem:s19+$0x211] =	vst v0  }
0x1a8: {  	v17 =	vld [tilespmem:s19+$0x412];
	[tilespmem:s19+$0x412] =	vst v0  }
0x1a9: {  	v18 =	vld [tilespmem:s19+$0x613];
	[tilespmem:s19+$0x613] =	vst v0  }
0x1aa: {  	v19 =	vld [tilespmem:s19+$0x814];
	[tilespmem:s19+$0x814] =	vst v0  }
0x1ab: {  	v20 =	vld [tilespmem:s19+$0xA15];
	[tilespmem:s19+$0xA15] =	vst v0  }
0x1ac: {  	v21 =	vld [tilespmem:s19+$0xC16];
	[tilespmem:s19+$0xC16] =	vst v0  }
0x1ad: {  	s16 =	sadd.s32 $0x2, s16;
	v22 =	vld [tilespmem:s19+$0xE17];
	[tilespmem:s19+$0xE17] =	vst v0  }
0x1ae: {  	p0 =	slt.u32 s16, $0x1E;
	v5 =	vld [tilespmem:s19+$0xFFFFF1F9];
	[tilespmem:s19+$0xFFFFF1F9] =	vst v0  }
0x1af: {  	v13 =	vadd.f32 v14, v13;
	v9 =	vadd.f32 v9, v11;
	v23 =	vld [tilespmem:s19+$0xFFFFF3FA];
	[tilespmem:s19+$0xFFFFF3FA] =	vst v0  }
0x1b0: {  	v6 =	vadd.f32 v6, v12;
	v7 =	vadd.f32 v7, v10;
	v11 =	vld [tilespmem:s19+$0xFFFFF5FB];
	[tilespmem:s19+$0xFFFFF5FB] =	vst v0  }
0x1b1: {  	v8 =	vadd.f32 v8, v15;
	v12 =	vadd.f32 v18, v17;
	v10 =	vld [tilespmem:s19+$0xFFFFF7FC];
	[tilespmem:s19+$0xFFFFF7FC] =	vst v0  }
0x1b2: {  	v15 =	vadd.f32 v20, v19;
	v14 =	vld [tilespmem:s19+$0xFFFFF9FD];
	[tilespmem:s19+$0xFFFFF9FD] =	vst v0;
	v17 =	vadd.f32 v22, v21  }
0x1b3: {  	v9 =	vadd.f32 v9, v13;
	v7 =	vadd.f32 v7, v6;
	v18 =	vld [tilespmem:s19+$0xFFFFFBFE];
	[tilespmem:s19+$0xFFFFFBFE] =	vst v0  }
0x1b4: {  	v8 =	vadd.f32 v12, v8;
	v13 =	vld [tilespmem:s19+$0xFFFFFDFF];
	[tilespmem:s19+$0xFFFFFDFF] =	vst v0;
	v12 =	vadd.f32 v17, v15  }
0x1b5: {  	v15 =	vld [tilespmem:s19+$0x0];
	[tilespmem:s19+$0x0] =	vst v0;
	v6 =	vadd.f32 v11, v23  }
0x1b6: {  	v7 =	vadd.f32 v7, v9;
	v11 =	vld [tilespmem:s19+$0x201];
	[tilespmem:s19+$0x201] =	vst v0;
	v8 =	vadd.f32 v12, v8  }
0x1b7: {  	v12 =	vld [tilespmem:s19+$0x402];
	[tilespmem:s19+$0x402] =	vst v0;
	v9 =	vadd.f32 v14, v10  }
0x1b8: {  	v10 =	vld [tilespmem:s19+$0x603];
	[tilespmem:s19+$0x603] =	vst v0;
	v7 =	vadd.f32 v8, v7  }
0x1b9: {  	s2 =	sadd.s32 $0x20, s2;
	v14 =	vld [tilespmem:s19+$0x804];
	[tilespmem:s19+$0x804] =	vst v0;
	v13 =	vadd.f32 v13, v18  }
0x1ba: {  	v17 =	vld [tilespmem:s19+$0xA05];
	[tilespmem:s2+$0x0] =	vst v7  }
.Ltmp5:
0x1bb: {  	[tilespmem:s19+$0xA05] =	vst v0;
	v8 =	vld [tilespmem:s19+$0xC06];
	v15 =	vadd.f32 v11, v15;
	v7 =	vadd.f32 v13, v9;
	(pc) =	sbr.rel @p0 .LBB2_13-.Ltmp5, $4  }
0x1bc: {  	[tilespmem:s19+$0xC06] =	vst v0;
	v11 =	vld [tilespmem:s19+$0xE07]  }
0x1bd: {  	v9 =	vld [tilespmem:s19+$0xFFFFEFF8];
	[tilespmem:s19+$0xFFFFEFF8] =	vst v0;
	v10 =	vadd.f32 v10, v12  }
0x1be: {  	[tilespmem:s19+$0xE07] =	vst v0  }
0x1bf: {  	s19 =	sadd.s32 $0x20, s19;
	v12 =	vadd.f32 v17, v14;
	v10 =	vadd.f32 v10, v15;
	[tilespmem:s15+$0xFFFFFFF0] =	vst v16;
	s15 =	smov.u32 s2  }
0x1c0: {  	_ =	sdelay $0x1  }
0x1c1: {  	v8 =	vadd.f32 v11, v8;
	v5 =	vadd.f32 v5, v9;
	_ =	sdelay $0x1  }
0x1c2: {  	v8 =	vadd.f32 v8, v12;
	v5 =	vadd.f32 v6, v5  }
0x1c3: {  	s2 =	sshll.u32 s31, $0x9  }
0x1c4: {  	s7 =	sshll.u32 s31, $0x7;
	s2 =	sand.u32 $0x3000, s2;
	v6 =	vadd.f32 v8, v10;
	v5 =	vadd.f32 v7, v5  }
0x1c5: {  	s7 =	sand.u32 $0x380, s7;
	s2 =	sadd.s32 s12, s2  }
0x1c6: {  	s2 =	sor.u32 s7, s2;
	v5 =	vadd.f32 v6, v5  }
0x1c7: {  	p0 =	sne.s32 s0, $0x15;
	s2 =	sshrl.u32 s2, $0x3  }
.Ltmp6:
0x1c8: {  	s2 =	sadd.s32 s4, s2;
	[tilespmem:s15+$0xFFFFFFF0] =	vst v5;
	(pc) =	sbr.rel @p0 .LBB2_4-.Ltmp6, $4  }
0x1c9: {  	[hbm4b:s2+s24] =	stream.strided.scatter [tilespmem:s26], [sflag:$0x3], $0x200, s25, s24, $0x38;
	[tilespmem:$0xE280] =	vst v63  }
0x1ca: {  	_ =	swait.ge [sflag:s28], $0x200  }
0x1cb: {  	[sflag:s28] =	ssyncset.done $0x0  }
0x1cc: {  	s31 =	smov.u32 s0;
	[sflag:s28] =	ssyncadd.s32 $0xFFFFFE00  }
0x1cd: {  	s29 =	sadd.s32 $0x1, s29  }
0x1ce: {  	p0 =	sne.s32 s29, s18  }
.Ltmp7:
0x1cf: {  	_ = 	snop;
	(pc) =	sbr.rel @p0 .LBB2_1-.Ltmp7, $4  }
0x1d0: {  	_ = 	snop  }
0x1d1: {  	_ =	swait.ge [sflag:s22], $0x2000  }
0x1d2: {  	[sflag:s22] =	ssyncset.done $0x0  }
0x1d3: {  	[sflag:s22] =	ssyncadd.s32 $0xFFFFE000  }
0x1d4: {  	_ =	sfence.sel $0x180000  }
0x1d5: {  	[bflag:$0x0] =	sbarrier.arrive $0xFFFF  }
0x1d6: {  	_ =	strace $0x90000047  }
0x1d7: {  	s0 =	stileid.u32;
	[bflag:$0x2] =	sbarrier.arrive $0xFFFF  }
0x1d8: {  	p0 =	sne.s32 s0, $0x0;
	s0 =	rddreg [dreg:$0x3]  }
0x1d9: {  	s0 =	sadd.s32 @!p0 $0x100000, s0  }
0x1da: {  	[sflag:s0] =	ssyncadd.tile.s32 @!p0 $0x1;
	_ =	shalt  }
.Lfunc_end2:
_tile_overlayer_lowered:
.L_overlay_start_2:
0x1db: {  	(tag) =	ssettag $0x2  }
0x1dc: {  	s0 =	rddreg [dreg:$0x0];
	s2 =	stileid.u32  }
0x1dd: {  	s1 =	rddreg [dreg:$0x1];
	p0 =	sne.s32 s2, $0x0  }
0x1de: {  	s3 =	rddreg [dreg:$0x2];
	[bflag:$0x3] =	sbarrier.arrive $0xFFFF;
	s2 =	simm.s32 @!p0 $0x1C03  }
0x1df: {  	[timem:s3], [sflag:s2] =	dma.local @!p0 [hbm:s0], s1  }
0x1e0: {  	s0 =	simm.s32 @!p0 $0x3  }
0x1e1: {  	_ =	swait.ge @!p0 [sflag:s0], s1  }
0x1e2: {  	s1 =	ssub.s32 @!p0 $0x0, s1;
	[sflag:s0] =	ssyncset.done @!p0 $0x0  }
0x1e3: {  	[sflag:s0] =	ssyncadd.s32 @!p0 s1  }
0x1e4: {  	[bflag:$0x3] =	sbarrier.arrive $0xFFFF  }
0x1e5: {  	_ =	shalt  }

</sc_bundles>
